<compile_context>
chip_gen: v7x
topology: tpu7x:2x2x1
jax: 0.10.2.dev20260603
libtpu: 0.0.44.dev20260713+nightly
codegen_flags: <defaults>
</compile_context>

<pallas_src>
import functools

import jax
import jax.numpy as jnp
from jax import lax
from jax.experimental import pallas as pl
from jax.experimental.pallas import tpu as pltpu
from jax.experimental.pallas import tpu_sc as plsc

L = 16
NC = 2
NS = 16
NW = NC * NS

_GDN = lax.GatherDimensionNumbers(
    offset_dims=(), collapsed_slice_dims=(0,), start_index_map=(0,))


def _perm(x, idx):
    return lax.gather(x, idx[:, None], _GDN, (1,),
                      mode=lax.GatherScatterMode.PROMISE_IN_BOUNDS)


def _spcl_sc(z, ei, gt, sm, lam):
    E = ei.shape[0] // 2
    N, D = z.shape
    Dw = D // 2
    nwc = Dw // L
    RB = 125
    rpt = N // NS
    epw = E // NW
    B = 400
    SG = 80
    nchunks = epw // B

    mesh = plsc.VectorSubcoreMesh(core_axis_name="c", subcore_axis_name="s")

    @functools.partial(
        pl.kernel,
        mesh=mesh,
        out_type=(jax.ShapeDtypeStruct((NW, L), jnp.float32),
                  jax.ShapeDtypeStruct((NC, N, Dw), jnp.float32)),
        compiler_params=pltpu.CompilerParams(needs_layout_passes=False, use_tc_tiling_on_sc=False),
        scratch_types=[
            pltpu.VMEM((2 * B,), jnp.int32),
            pltpu.VMEM((2 * B,), jnp.int32),
            pltpu.VMEM((2 * B, Dw), jnp.float32),
            pltpu.VMEM((2 * B, Dw), jnp.float32),
            pltpu.VMEM((2 * B,), jnp.float32),
            pltpu.VMEM((2 * B,), jnp.float32),
            pltpu.VMEM((L,), jnp.float32),
            pltpu.VMEM((L,), jnp.float32),
            pltpu.VMEM((RB, 2 * Dw), jnp.float32),
            pltpu.VMEM((RB, Dw), jnp.float32),
            pltpu.SemaphoreType.DMA,
            pltpu.SemaphoreType.DMA,
        ],
    )
    def k(z_h, ei_h, gt_h, sm_h, lam_h, out_h, slab_h,
          sidx, didx, srows, drows, gtv, wv, lamv, outv,
          ztmp, pbuf, sem_i, sem_r):
        cidx = lax.axis_index("c")
        sid = lax.axis_index("s")
        wid = cidx * NS + sid
        myslab = slab_h.at[cidx]

        def pack_block(b, _):
            rb = pl.multiple_of(sid * rpt + b * RB, 1)
            pltpu.sync_copy(z_h.at[pl.ds(rb, RB)], ztmp)

            def pack_row(r):
                for kk in range(Dw // L):
                    a = ztmp[r, pl.ds(kk * 2 * L, L)]
                    bvec = ztmp[r, pl.ds(kk * 2 * L + L, L)]
                    w = plsc.bitcast(
                        plsc.pack(a, bvec,
                                  format=plsc.PackFormat.INTERLEAVED),
                        jnp.float32)
                    pbuf[r, pl.ds(kk * L, L)] = w

            plsc.parallel_loop(0, RB, unroll=1)(pack_row)
            pltpu.sync_copy(pbuf, myslab.at[pl.ds(rb, RB)])
            return _

        lax.fori_loop(0, rpt // RB, pack_block, 0)
        plsc.subcore_barrier()

        pltpu.sync_copy(lam_h, lamv)
        lam_vec = lamv[...]
        lane = lax.iota(jnp.int32, L)
        perms = {w: lane ^ w for w in (8, 4, 2, 1)}

        def issue_idx(ci, buf):
            base = pl.multiple_of(wid * epw + ci * B, 8)
            bo = pl.multiple_of(buf * B, 8)
            pltpu.async_copy(ei_h.at[pl.ds(base, B)],
                             sidx.at[pl.ds(bo, B)], sem_i)
            pltpu.async_copy(ei_h.at[pl.ds(E + base, B)],
                             didx.at[pl.ds(bo, B)], sem_i)
            pltpu.async_copy(gt_h.at[pl.ds(base, B)],
                             gtv.at[pl.ds(bo, B)], sem_i)
            pltpu.async_copy(sm_h.at[pl.ds(base, B)],
                             wv.at[pl.ds(bo, B)], sem_i)

        def wait_idx(buf):
            bo = pl.multiple_of(buf * B, 8)
            pltpu.make_async_copy(ei_h.at[pl.ds(0, B)],
                                  sidx.at[pl.ds(bo, B)], sem_i).wait()
            pltpu.make_async_copy(ei_h.at[pl.ds(0, B)],
                                  didx.at[pl.ds(bo, B)], sem_i).wait()
            pltpu.make_async_copy(gt_h.at[pl.ds(0, B)],
                                  gtv.at[pl.ds(bo, B)], sem_i).wait()
            pltpu.make_async_copy(sm_h.at[pl.ds(0, B)],
                                  wv.at[pl.ds(bo, B)], sem_i).wait()

        def issue_rows(buf):
            for j in range(B // SG):
                s = pl.ds(pl.multiple_of(buf * B + j * SG, 8), SG)
                pltpu.async_copy(myslab.at[sidx.at[s]], srows.at[s], sem_r)
                pltpu.async_copy(myslab.at[didx.at[s]], drows.at[s], sem_r)

        def wait_rows(buf):
            for j in range(B // SG):
                s = pl.ds(pl.multiple_of(buf * B + j * SG, 8), SG)
                pltpu.make_async_copy(myslab.at[sidx.at[s]], srows.at[s],
                                      sem_r).wait()
                pltpu.make_async_copy(myslab.at[didx.at[s]], drows.at[s],
                                      sem_r).wait()

        issue_idx(0, 0)
        wait_idx(0)
        issue_rows(0)
        issue_idx(1, 1)

        def chunk_body(c, tot):
            buf = lax.rem(c, 2)
            nbuf = 1 - buf
            wait_rows(buf)

            @pl.when(c + 1 < nchunks)
            def _():
                wait_idx(nbuf)
                issue_rows(nbuf)

            bo = pl.multiple_of(buf * B, 8)

            def edge_body(e, acc):
                ew = lax.rem(e, L)
                gb = pl.multiple_of(bo + e - ew, 8)
                row = bo + e
                ps = []
                for f in range(nwc):
                    a = plsc.bitcast(srows[row, pl.ds(f * L, L)],
                                     jnp.bfloat16)
                    b = plsc.bitcast(drows[row, pl.ds(f * L, L)],
                                     jnp.bfloat16)
                    ps.append(a * b)
                n = nwc
                while n > 1:
                    ps = [ps[2 * i] + ps[2 * i + 1]
                          for i in range(n // 2)] + ps[n & ~1:]
                    n = (n + 1) // 2
                ev, od = plsc.unpack(ps[0], format=plsc.PackFormat.INTERLEAVED,
                                     preferred_element_type=jnp.float32)
                h = ev + od
                for w in (8, 4, 2, 1):
                    h = h + _perm(h, perms[w])
                p = 1.0 / (1.0 + jnp.exp(-h))
                diff = p - gtv[pl.ds(gb, L)]
                cont = wv[pl.ds(gb, L)] * (diff * diff - lam_vec)
                return acc + jnp.where(lane == ew, cont, 0.0)

            tot = plsc.parallel_loop(0, B, unroll=4, carry=tot)(edge_body)

            @pl.when(c + 2 < nchunks)
            def _():
                issue_idx(c + 2, buf)

            return tot

        tot = lax.fori_loop(0, nchunks, chunk_body,
                            jnp.zeros((L,), jnp.float32))
        outv[...] = tot
        pltpu.sync_copy(outv, out_h.at[wid])

    return k(z, ei, gt, sm, lam)


def kernel(z, edge_index, _lambda, gt_edge, s_mask):
    ei = edge_index.astype(jnp.int32).reshape(-1)
    lam = jnp.full((L,), _lambda, jnp.float32)
    parts, _ = _spcl_sc(z, ei,
                        gt_edge.astype(jnp.float32),
                        s_mask.astype(jnp.float32), lam)
    return jnp.sum(parts)

# --- scband reference (transcript-rebuilt; emitter-appended) ---
"""Pipeline reference for scband-spcl-90477781058267 (READ-ONLY COPY).

The authoritative reference and input builder live on the scoring server;
editing this copy changes nothing except your own understanding.
"""

import jax, jax.numpy as jnp
import numpy as np

NUM_NODES = 10000
NUM_EDGES = 320000
D_FEAT = 128


def setup_inputs(seed: int = 0) -> dict:
    key = jax.random.key(seed)
    k1, k2, k3, k4 = jax.random.split(key, 4)
    z = jax.random.normal(k1, (NUM_NODES, D_FEAT), dtype=jnp.float32)
    edge_index = jax.random.randint(k2, (2, NUM_EDGES), 0, NUM_NODES, dtype=jnp.int64)
    _lambda = jnp.ones((), dtype=jnp.float32)
    gt_edge = jax.random.uniform(k3, (NUM_EDGES,), dtype=jnp.float32)
    # learned parameter: s_mask (module inits to zeros; use small uniform for non-degenerate signal)
    s_mask = jax.random.uniform(k4, (NUM_EDGES,), dtype=jnp.float32)
    return {"z": z, "edge_index": edge_index, "_lambda": _lambda, "gt_edge": gt_edge, "s_mask": s_mask}


def _inner_product_decode(z, edge_index, sigmoid=True):
    # value = (z[edge_index[0]] * z[edge_index[1]]).sum(dim=1)
    src = jnp.take(z, edge_index[0], axis=0)
    dst = jnp.take(z, edge_index[1], axis=0)
    value = jnp.sum(src * dst, axis=1)
    return jax.nn.sigmoid(value) if sigmoid else value


def reference(z, edge_index, _lambda, gt_edge, s_mask):
    # SPCL.recon_loss with loss_type='increase'
    pred_struct = _inner_product_decode(z, edge_index, sigmoid=True).reshape(-1)
    structure_loss = jnp.sum(s_mask * (pred_struct - gt_edge) ** 2) - _lambda * jnp.sum(s_mask)
    return structure_loss

if __name__ == "__main__":
    import jax
    _d = setup_inputs()
    print(jax.jit(kernel)(*tuple(_d.values())))

</pallas_src>

<mosaic_0001>
#map = affine_map<(d0, d1) -> (0, 0)>
#map1 = affine_map<(d0, d1) -> (0)>
#map2 = affine_map<(d0, d1) -> (0, 0, 0)>
module attributes {stable_mosaic.version = 14 : i64} {
  func.func @k(%arg0: i32, %arg1: i32, %arg2: memref<10000x128xf32, #tpu.memory_space<hbm>>, %arg3: memref<640000xi32, #tpu.memory_space<hbm>>, %arg4: memref<320000xf32, #tpu.memory_space<hbm>>, %arg5: memref<320000xf32, #tpu.memory_space<hbm>>, %arg6: memref<16xf32, #tpu.memory_space<hbm>>, %arg7: memref<32x16xf32, #tpu.memory_space<hbm>>, %arg8: memref<2x10000x64xf32, #tpu.memory_space<hbm>>, %arg9: memref<800xi32, #tpu.memory_space<vmem>>, %arg10: memref<800xi32, #tpu.memory_space<vmem>>, %arg11: memref<800x64xf32, #tpu.memory_space<vmem>>, %arg12: memref<800x64xf32, #tpu.memory_space<vmem>>, %arg13: memref<800xf32, #tpu.memory_space<vmem>>, %arg14: memref<800xf32, #tpu.memory_space<vmem>>, %arg15: memref<16xf32, #tpu.memory_space<vmem>>, %arg16: memref<16xf32, #tpu.memory_space<vmem>>, %arg17: memref<125x128xf32, #tpu.memory_space<vmem>>, %arg18: memref<125x64xf32, #tpu.memory_space<vmem>>, %arg19: memref<!tpu.dma_semaphore, #tpu.memory_space<semaphore_mem>>, %arg20: memref<!tpu.dma_semaphore, #tpu.memory_space<semaphore_mem>>) attributes {dimension_semantics = [#tpu.dimension_semantics<core_parallel>, #tpu.dimension_semantics<subcore_parallel>], iteration_bounds = array<i64: 2, 16>, scalar_prefetch = 0 : i64, scratch_operands = 12 : i64, tpu.core_type = #tpu.core_type<sc_vector_subcore>, window_params = [{transform_indices = #map}, {transform_indices = #map1}, {transform_indices = #map1}, {transform_indices = #map1}, {transform_indices = #map1}, {transform_indices = #map}, {transform_indices = #map2}]} {
    %mul3A = arith.constant 16 : i32
    %mul3A_0 = arith.muli %arg0, %mul3A : i32
    %add3A = arith.addi %mul3A_0, %arg1 : i32
    %scan3A = arith.constant 0 : i32
    %scan3A_1 = arith.constant 0 : i32
    %scan3A_2 = arith.constant 5 : i32
    %scan3A_3 = arith.addi %scan3A_1, %scan3A_2 : i32
    %scan3A_4 = arith.constant 1 : i32
    scf.for %scan3A_209 = %scan3A_1 to %scan3A_3 step %scan3A_4  : i32 {
      %mul3A_210 = arith.constant 625 : i32
      %mul3A_211 = arith.muli %arg1, %mul3A_210 : i32
      %mul3A_212 = arith.constant 125 : i32
      %mul3A_213 = arith.muli %scan3A_209, %mul3A_212 : i32
      %add3A_214 = arith.addi %mul3A_211, %mul3A_213 : i32
      %multiple_of3A_215 = tpu.assume_multiple %add3A_214, 1 : i32
      "tpu.region"() ({
        %run_scoped3A = tpu.sem_alloc : memref<!tpu.dma_semaphore, #tpu.memory_space<semaphore_mem>>
        %dma_start3A_218 = arith.constant 0 : i32
        %dma_start3A_219 = tpu.memref_slice %arg2[%multiple_of3A_215, %dma_start3A_218] : memref<10000x128xf32, #tpu.memory_space<hbm>> -> memref<125x128xf32, #tpu.memory_space<hbm>>
        %dma_start3A_220 = arith.constant 0 : i32
        %dma_start3A_221 = tpu.memref_slice %arg2[%multiple_of3A_215, %dma_start3A_220] : memref<10000x128xf32, #tpu.memory_space<hbm>> -> memref<125x128xf32, #tpu.memory_space<hbm>>
        tpu.enqueue_dma source(%dma_start3A_221 : memref<125x128xf32, #tpu.memory_space<hbm>>) target(%arg17 : memref<125x128xf32, #tpu.memory_space<vmem>>) target_semaphore(%run_scoped3A : memref<!tpu.dma_semaphore, #tpu.memory_space<semaphore_mem>>)
        %dma_wait3A_222 = arith.constant 0 : i32
        %dma_wait3A_223 = tpu.memref_slice %arg2[%multiple_of3A_215, %dma_wait3A_222] : memref<10000x128xf32, #tpu.memory_space<hbm>> -> memref<125x128xf32, #tpu.memory_space<hbm>>
        %dma_wait3A_224 = arith.constant 0 : i32
        %dma_wait3A_225 = tpu.memref_slice %arg2[%multiple_of3A_215, %dma_wait3A_224] : memref<10000x128xf32, #tpu.memory_space<hbm>> -> memref<125x128xf32, #tpu.memory_space<hbm>>
        tpu.wait_dma2 semaphore(%run_scoped3A : memref<!tpu.dma_semaphore, #tpu.memory_space<semaphore_mem>>) src(%dma_wait3A_225 : memref<125x128xf32, #tpu.memory_space<hbm>>) dst(%arg17 : memref<125x128xf32, #tpu.memory_space<vmem>>)
        tpu.yield
      }) : () -> ()
      %parallel_loop3A = arith.constant 0 : i32
      %parallel_loop3A_216 = arith.constant 125 : i32
      %parallel_loop3A_217 = arith.constant 1 : i32
      scf.for %parallel_loop3A_218 = %parallel_loop3A to %parallel_loop3A_216 step %parallel_loop3A_217  : i32 {
        %parallel_loop3A_219 = arith.index_cast %parallel_loop3A_218 : i32 to index
        %parallel_loop3A_220 = arith.constant 0 : index
        %parallel_loop3A_221 = tpu.vector_load %arg17[%parallel_loop3A_219, %parallel_loop3A_220] {strides = array<i32>} : memref<125x128xf32, #tpu.memory_space<vmem>>, vector<16xf32>,
        %parallel_loop3A_222 = arith.index_cast %parallel_loop3A_218 : i32 to index
        %parallel_loop3A_223 = arith.constant 16 : index
        %parallel_loop3A_224 = tpu.vector_load %arg17[%parallel_loop3A_222, %parallel_loop3A_223] {strides = array<i32>} : memref<125x128xf32, #tpu.memory_space<vmem>>, vector<16xf32>,
        %parallel_loop3A_225 = tpu.pack_subelements %parallel_loop3A_221, %parallel_loop3A_224 {pack_format = #tpu.pack_format<interleaved>, positions = array<i32: 0, 1>} : vector<16xf32>, vector<16xf32> -> vector<32xbf16>
        %parallel_loop3A_226 = vector.bitcast %parallel_loop3A_225 : vector<32xbf16> to vector<16xf32>
        %parallel_loop3A_227 = arith.index_cast %parallel_loop3A_218 : i32 to index
        %parallel_loop3A_228 = arith.constant 0 : index
        %parallel_loop3A_229 = tpu.vector_load %arg18[%parallel_loop3A_227, %parallel_loop3A_228] {strides = array<i32>} : memref<125x64xf32, #tpu.memory_space<vmem>>, vector<16xf32>,
        tpu.vector_store %arg18[%parallel_loop3A_227, %parallel_loop3A_228], %parallel_loop3A_226 {strides = array<i32>} : memref<125x64xf32, #tpu.memory_space<vmem>>, vector<16xf32>,
        %parallel_loop3A_230 = arith.index_cast %parallel_loop3A_218 : i32 to index
        %parallel_loop3A_231 = arith.constant 32 : index
        %parallel_loop3A_232 = tpu.vector_load %arg17[%parallel_loop3A_230, %parallel_loop3A_231] {strides = array<i32>} : memref<125x128xf32, #tpu.memory_space<vmem>>, vector<16xf32>,
        %parallel_loop3A_233 = arith.index_cast %parallel_loop3A_218 : i32 to index
        %parallel_loop3A_234 = arith.constant 48 : index
        %parallel_loop3A_235 = tpu.vector_load %arg17[%parallel_loop3A_233, %parallel_loop3A_234] {strides = array<i32>} : memref<125x128xf32, #tpu.memory_space<vmem>>, vector<16xf32>,
        %parallel_loop3A_236 = tpu.pack_subelements %parallel_loop3A_232, %parallel_loop3A_235 {pack_format = #tpu.pack_format<interleaved>, positions = array<i32: 0, 1>} : vector<16xf32>, vector<16xf32> -> vector<32xbf16>
        %parallel_loop3A_237 = vector.bitcast %parallel_loop3A_236 : vector<32xbf16> to vector<16xf32>
        %parallel_loop3A_238 = arith.index_cast %parallel_loop3A_218 : i32 to index
        %parallel_loop3A_239 = arith.constant 16 : index
        %parallel_loop3A_240 = tpu.vector_load %arg18[%parallel_loop3A_238, %parallel_loop3A_239] {strides = array<i32>} : memref<125x64xf32, #tpu.memory_space<vmem>>, vector<16xf32>,
        tpu.vector_store %arg18[%parallel_loop3A_238, %parallel_loop3A_239], %parallel_loop3A_237 {strides = array<i32>} : memref<125x64xf32, #tpu.memory_space<vmem>>, vector<16xf32>,
        %parallel_loop3A_241 = arith.index_cast %parallel_loop3A_218 : i32 to index
        %parallel_loop3A_242 = arith.constant 64 : index
        %parallel_loop3A_243 = tpu.vector_load %arg17[%parallel_loop3A_241, %parallel_loop3A_242] {strides = array<i32>} : memref<125x128xf32, #tpu.memory_space<vmem>>, vector<16xf32>,
        %parallel_loop3A_244 = arith.index_cast %parallel_loop3A_218 : i32 to index
        %parallel_loop3A_245 = arith.constant 80 : index
        %parallel_loop3A_246 = tpu.vector_load %arg17[%parallel_loop3A_244, %parallel_loop3A_245] {strides = array<i32>} : memref<125x128xf32, #tpu.memory_space<vmem>>, vector<16xf32>,
        %parallel_loop3A_247 = tpu.pack_subelements %parallel_loop3A_243, %parallel_loop3A_246 {pack_format = #tpu.pack_format<interleaved>, positions = array<i32: 0, 1>} : vector<16xf32>, vector<16xf32> -> vector<32xbf16>
        %parallel_loop3A_248 = vector.bitcast %parallel_loop3A_247 : vector<32xbf16> to vector<16xf32>
        %parallel_loop3A_249 = arith.index_cast %parallel_loop3A_218 : i32 to index
        %parallel_loop3A_250 = arith.constant 32 : index
        %parallel_loop3A_251 = tpu.vector_load %arg18[%parallel_loop3A_249, %parallel_loop3A_250] {strides = array<i32>} : memref<125x64xf32, #tpu.memory_space<vmem>>, vector<16xf32>,
        tpu.vector_store %arg18[%parallel_loop3A_249, %parallel_loop3A_250], %parallel_loop3A_248 {strides = array<i32>} : memref<125x64xf32, #tpu.memory_space<vmem>>, vector<16xf32>,
        %parallel_loop3A_252 = arith.index_cast %parallel_loop3A_218 : i32 to index
        %parallel_loop3A_253 = arith.constant 96 : index
        %parallel_loop3A_254 = tpu.vector_load %arg17[%parallel_loop3A_252, %parallel_loop3A_253] {strides = array<i32>} : memref<125x128xf32, #tpu.memory_space<vmem>>, vector<16xf32>,
        %parallel_loop3A_255 = arith.index_cast %parallel_loop3A_218 : i32 to index
        %parallel_loop3A_256 = arith.constant 112 : index
        %parallel_loop3A_257 = tpu.vector_load %arg17[%parallel_loop3A_255, %parallel_loop3A_256] {strides = array<i32>} : memref<125x128xf32, #tpu.memory_space<vmem>>, vector<16xf32>,
        %parallel_loop3A_258 = tpu.pack_subelements %parallel_loop3A_254, %parallel_loop3A_257 {pack_format = #tpu.pack_format<interleaved>, positions = array<i32: 0, 1>} : vector<16xf32>, vector<16xf32> -> vector<32xbf16>
        %parallel_loop3A_259 = vector.bitcast %parallel_loop3A_258 : vector<32xbf16> to vector<16xf32>
        %parallel_loop3A_260 = arith.index_cast %parallel_loop3A_218 : i32 to index
        %parallel_loop3A_261 = arith.constant 48 : index
        %parallel_loop3A_262 = tpu.vector_load %arg18[%parallel_loop3A_260, %parallel_loop3A_261] {strides = array<i32>} : memref<125x64xf32, #tpu.memory_space<vmem>>, vector<16xf32>,
        tpu.vector_store %arg18[%parallel_loop3A_260, %parallel_loop3A_261], %parallel_loop3A_259 {strides = array<i32>} : memref<125x64xf32, #tpu.memory_space<vmem>>, vector<16xf32>,
      } {sc.loop_unroll_factor = 1 : i64, sc.parallel_access}
      "tpu.region"() ({
        %run_scoped3A = tpu.sem_alloc : memref<!tpu.dma_semaphore, #tpu.memory_space<semaphore_mem>>
        %dma_start3A_218 = arith.constant 0 : i32
        %dma_start3A_219 = arith.constant 0 : i32
        %dma_start3A_220 = tpu.memref_slice %arg8[%arg0, %dma_start3A_218, %dma_start3A_219] : memref<2x10000x64xf32, #tpu.memory_space<hbm>> -> memref<1x10000x64xf32, #tpu.memory_space<hbm>>
        %dma_start3A_221 = tpu.memref_squeeze %dma_start3A_220 : memref<1x10000x64xf32, #tpu.memory_space<hbm>> -> memref<10000x64xf32, #tpu.memory_space<hbm>>
        %dma_start3A_222 = arith.constant 0 : i32
        %dma_start3A_223 = tpu.memref_slice %dma_start3A_221[%multiple_of3A_215, %dma_start3A_222] : memref<10000x64xf32, #tpu.memory_space<hbm>> -> memref<125x64xf32, #tpu.memory_space<hbm>>
        %dma_start3A_224 = arith.constant 0 : i32
        %dma_start3A_225 = arith.constant 0 : i32
        %dma_start3A_226 = tpu.memref_slice %arg8[%arg0, %dma_start3A_224, %dma_start3A_225] : memref<2x10000x64xf32, #tpu.memory_space<hbm>> -> memref<1x10000x64xf32, #tpu.memory_space<hbm>>
        %dma_start3A_227 = tpu.memref_squeeze %dma_start3A_226 : memref<1x10000x64xf32, #tpu.memory_space<hbm>> -> memref<10000x64xf32, #tpu.memory_space<hbm>>
        %dma_start3A_228 = arith.constant 0 : i32
        %dma_start3A_229 = tpu.memref_slice %dma_start3A_227[%multiple_of3A_215, %dma_start3A_228] : memref<10000x64xf32, #tpu.memory_space<hbm>> -> memref<125x64xf32, #tpu.memory_space<hbm>>
        tpu.enqueue_dma source(%arg18 : memref<125x64xf32, #tpu.memory_space<vmem>>) target(%dma_start3A_229 : memref<125x64xf32, #tpu.memory_space<hbm>>) target_semaphore(%run_scoped3A : memref<!tpu.dma_semaphore, #tpu.memory_space<semaphore_mem>>)
        %dma_wait3A_230 = arith.constant 0 : i32
        %dma_wait3A_231 = arith.constant 0 : i32
        %dma_wait3A_232 = tpu.memref_slice %arg8[%arg0, %dma_wait3A_230, %dma_wait3A_231] : memref<2x10000x64xf32, #tpu.memory_space<hbm>> -> memref<1x10000x64xf32, #tpu.memory_space<hbm>>
        %dma_wait3A_233 = tpu.memref_squeeze %dma_wait3A_232 : memref<1x10000x64xf32, #tpu.memory_space<hbm>> -> memref<10000x64xf32, #tpu.memory_space<hbm>>
        %dma_wait3A_234 = arith.constant 0 : i32
        %dma_wait3A_235 = tpu.memref_slice %dma_wait3A_233[%multiple_of3A_215, %dma_wait3A_234] : memref<10000x64xf32, #tpu.memory_space<hbm>> -> memref<125x64xf32, #tpu.memory_space<hbm>>
        %dma_wait3A_236 = arith.constant 0 : i32
        %dma_wait3A_237 = arith.constant 0 : i32
        %dma_wait3A_238 = tpu.memref_slice %arg8[%arg0, %dma_wait3A_236, %dma_wait3A_237] : memref<2x10000x64xf32, #tpu.memory_space<hbm>> -> memref<1x10000x64xf32, #tpu.memory_space<hbm>>
        %dma_wait3A_239 = tpu.memref_squeeze %dma_wait3A_238 : memref<1x10000x64xf32, #tpu.memory_space<hbm>> -> memref<10000x64xf32, #tpu.memory_space<hbm>>
        %dma_wait3A_240 = arith.constant 0 : i32
        %dma_wait3A_241 = tpu.memref_slice %dma_wait3A_239[%multiple_of3A_215, %dma_wait3A_240] : memref<10000x64xf32, #tpu.memory_space<hbm>> -> memref<125x64xf32, #tpu.memory_space<hbm>>
        tpu.wait_dma2 semaphore(%run_scoped3A : memref<!tpu.dma_semaphore, #tpu.memory_space<semaphore_mem>>) src(%arg18 : memref<125x64xf32, #tpu.memory_space<vmem>>) dst(%dma_wait3A_241 : memref<125x64xf32, #tpu.memory_space<hbm>>)
        tpu.yield
      }) : () -> ()
    }
    %scan3A_5 = arith.constant 5 : i32
    %barrier3A = arith.constant 0 : index
    tpu.barrier barrier_id(%barrier3A)
    "tpu.region"() ({
      %run_scoped3A = tpu.sem_alloc : memref<!tpu.dma_semaphore, #tpu.memory_space<semaphore_mem>>
      tpu.enqueue_dma source(%arg6 : memref<16xf32, #tpu.memory_space<hbm>>) target(%arg15 : memref<16xf32, #tpu.memory_space<vmem>>) target_semaphore(%run_scoped3A : memref<!tpu.dma_semaphore, #tpu.memory_space<semaphore_mem>>)
      tpu.wait_dma2 semaphore(%run_scoped3A : memref<!tpu.dma_semaphore, #tpu.memory_space<semaphore_mem>>) src(%arg6 : memref<16xf32, #tpu.memory_space<hbm>>) dst(%arg15 : memref<16xf32, #tpu.memory_space<vmem>>)
      tpu.yield
    }) : () -> ()
    %get3A = arith.constant 0 : index
    %get3A_6 = tpu.vector_load %arg15[%get3A] {strides = array<i32>} : memref<16xf32, #tpu.memory_space<vmem>>, vector<16xf32>,
    %iota3A = tpu.iota {dimensions = array<i32: 0>} : vector<16xi32>
    %xor3A = arith.constant 8 : i32
    %xor3A_7 = vector.broadcast %xor3A : i32 to vector<16xi32>
    %xor3A_8 = arith.xori %iota3A, %xor3A_7 : vector<16xi32>
    %xor3A_9 = arith.constant 4 : i32
    %xor3A_10 = vector.broadcast %xor3A_9 : i32 to vector<16xi32>
    %xor3A_11 = arith.xori %iota3A, %xor3A_10 : vector<16xi32>
    %xor3A_12 = arith.constant 2 : i32
    %xor3A_13 = vector.broadcast %xor3A_12 : i32 to vector<16xi32>
    %xor3A_14 = arith.xori %iota3A, %xor3A_13 : vector<16xi32>
    %xor3A_15 = arith.constant 1 : i32
    %xor3A_16 = vector.broadcast %xor3A_15 : i32 to vector<16xi32>
    %xor3A_17 = arith.xori %iota3A, %xor3A_16 : vector<16xi32>
    %mul3A_18 = arith.constant 10000 : i32
    %mul3A_19 = arith.muli %add3A, %mul3A_18 : i32
    %add3A_20 = arith.constant 0 : i32
    %add3A_21 = arith.addi %mul3A_19, %add3A_20 : i32
    %multiple_of3A = tpu.assume_multiple %add3A_21, 8 : i32
    %multiple_of3A_22 = arith.constant 0 : i32
    %multiple_of3A_23 = tpu.assume_multiple %multiple_of3A_22, 8 : i32
    %dma_start3A = tpu.memref_slice %arg9[%multiple_of3A_23] : memref<800xi32, #tpu.memory_space<vmem>> -> memref<400xi32, #tpu.memory_space<vmem>>
    %dma_start3A_24 = tpu.memref_slice %arg3[%multiple_of3A] : memref<640000xi32, #tpu.memory_space<hbm>> -> memref<400xi32, #tpu.memory_space<hbm>>
    %dma_start3A_25 = tpu.memref_slice %arg9[%multiple_of3A_23] : memref<800xi32, #tpu.memory_space<vmem>> -> memref<400xi32, #tpu.memory_space<vmem>>
    %dma_start3A_26 = tpu.memref_slice %arg3[%multiple_of3A] : memref<640000xi32, #tpu.memory_space<hbm>> -> memref<400xi32, #tpu.memory_space<hbm>>
    tpu.enqueue_dma source(%dma_start3A_26 : memref<400xi32, #tpu.memory_space<hbm>>) target(%dma_start3A_25 : memref<400xi32, #tpu.memory_space<vmem>>) target_semaphore(%arg19 : memref<!tpu.dma_semaphore, #tpu.memory_space<semaphore_mem>>)
    %add3A_27 = arith.constant 320000 : i32
    %add3A_28 = arith.addi %add3A_27, %multiple_of3A : i32
    %dma_start3A_29 = tpu.memref_slice %arg10[%multiple_of3A_23] : memref<800xi32, #tpu.memory_space<vmem>> -> memref<400xi32, #tpu.memory_space<vmem>>
    %dma_start3A_30 = tpu.memref_slice %arg3[%add3A_28] : memref<640000xi32, #tpu.memory_space<hbm>> -> memref<400xi32, #tpu.memory_space<hbm>>
    %dma_start3A_31 = tpu.memref_slice %arg10[%multiple_of3A_23] : memref<800xi32, #tpu.memory_space<vmem>> -> memref<400xi32, #tpu.memory_space<vmem>>
    %dma_start3A_32 = tpu.memref_slice %arg3[%add3A_28] : memref<640000xi32, #tpu.memory_space<hbm>> -> memref<400xi32, #tpu.memory_space<hbm>>
    tpu.enqueue_dma source(%dma_start3A_32 : memref<400xi32, #tpu.memory_space<hbm>>) target(%dma_start3A_31 : memref<400xi32, #tpu.memory_space<vmem>>) target_semaphore(%arg19 : memref<!tpu.dma_semaphore, #tpu.memory_space<semaphore_mem>>)
    %dma_start3A_33 = tpu.memref_slice %arg13[%multiple_of3A_23] : memref<800xf32, #tpu.memory_space<vmem>> -> memref<400xf32, #tpu.memory_space<vmem>>
    %dma_start3A_34 = tpu.memref_slice %arg4[%multiple_of3A] : memref<320000xf32, #tpu.memory_space<hbm>> -> memref<400xf32, #tpu.memory_space<hbm>>
    %dma_start3A_35 = tpu.memref_slice %arg13[%multiple_of3A_23] : memref<800xf32, #tpu.memory_space<vmem>> -> memref<400xf32, #tpu.memory_space<vmem>>
    %dma_start3A_36 = tpu.memref_slice %arg4[%multiple_of3A] : memref<320000xf32, #tpu.memory_space<hbm>> -> memref<400xf32, #tpu.memory_space<hbm>>
    tpu.enqueue_dma source(%dma_start3A_36 : memref<400xf32, #tpu.memory_space<hbm>>) target(%dma_start3A_35 : memref<400xf32, #tpu.memory_space<vmem>>) target_semaphore(%arg19 : memref<!tpu.dma_semaphore, #tpu.memory_space<semaphore_mem>>)
    %dma_start3A_37 = tpu.memref_slice %arg14[%multiple_of3A_23] : memref<800xf32, #tpu.memory_space<vmem>> -> memref<400xf32, #tpu.memory_space<vmem>>
    %dma_start3A_38 = tpu.memref_slice %arg5[%multiple_of3A] : memref<320000xf32, #tpu.memory_space<hbm>> -> memref<400xf32, #tpu.memory_space<hbm>>
    %dma_start3A_39 = tpu.memref_slice %arg14[%multiple_of3A_23] : memref<800xf32, #tpu.memory_space<vmem>> -> memref<400xf32, #tpu.memory_space<vmem>>
    %dma_start3A_40 = tpu.memref_slice %arg5[%multiple_of3A] : memref<320000xf32, #tpu.memory_space<hbm>> -> memref<400xf32, #tpu.memory_space<hbm>>
    tpu.enqueue_dma source(%dma_start3A_40 : memref<400xf32, #tpu.memory_space<hbm>>) target(%dma_start3A_39 : memref<400xf32, #tpu.memory_space<vmem>>) target_semaphore(%arg19 : memref<!tpu.dma_semaphore, #tpu.memory_space<semaphore_mem>>)
    %multiple_of3A_41 = arith.constant 0 : i32
    %multiple_of3A_42 = tpu.assume_multiple %multiple_of3A_41, 8 : i32
    %dma_wait3A = tpu.memref_slice %arg9[%multiple_of3A_42] : memref<800xi32, #tpu.memory_space<vmem>> -> memref<400xi32, #tpu.memory_space<vmem>>
    %dma_wait3A_43 = arith.constant 0 : i32
    %dma_wait3A_44 = tpu.memref_slice %arg3[%dma_wait3A_43] : memref<640000xi32, #tpu.memory_space<hbm>> -> memref<400xi32, #tpu.memory_space<hbm>>
    %dma_wait3A_45 = tpu.memref_slice %arg9[%multiple_of3A_42] : memref<800xi32, #tpu.memory_space<vmem>> -> memref<400xi32, #tpu.memory_space<vmem>>
    %dma_wait3A_46 = arith.constant 0 : i32
    %dma_wait3A_47 = tpu.memref_slice %arg3[%dma_wait3A_46] : memref<640000xi32, #tpu.memory_space<hbm>> -> memref<400xi32, #tpu.memory_space<hbm>>
    tpu.wait_dma2 semaphore(%arg19 : memref<!tpu.dma_semaphore, #tpu.memory_space<semaphore_mem>>) src(%dma_wait3A_47 : memref<400xi32, #tpu.memory_space<hbm>>) dst(%dma_wait3A_45 : memref<400xi32, #tpu.memory_space<vmem>>)
    %dma_wait3A_48 = tpu.memref_slice %arg10[%multiple_of3A_42] : memref<800xi32, #tpu.memory_space<vmem>> -> memref<400xi32, #tpu.memory_space<vmem>>
    %dma_wait3A_49 = arith.constant 0 : i32
    %dma_wait3A_50 = tpu.memref_slice %arg3[%dma_wait3A_49] : memref<640000xi32, #tpu.memory_space<hbm>> -> memref<400xi32, #tpu.memory_space<hbm>>
    %dma_wait3A_51 = tpu.memref_slice %arg10[%multiple_of3A_42] : memref<800xi32, #tpu.memory_space<vmem>> -> memref<400xi32, #tpu.memory_space<vmem>>
    %dma_wait3A_52 = arith.constant 0 : i32
    %dma_wait3A_53 = tpu.memref_slice %arg3[%dma_wait3A_52] : memref<640000xi32, #tpu.memory_space<hbm>> -> memref<400xi32, #tpu.memory_space<hbm>>
    tpu.wait_dma2 semaphore(%arg19 : memref<!tpu.dma_semaphore, #tpu.memory_space<semaphore_mem>>) src(%dma_wait3A_53 : memref<400xi32, #tpu.memory_space<hbm>>) dst(%dma_wait3A_51 : memref<400xi32, #tpu.memory_space<vmem>>)
    %dma_wait3A_54 = tpu.memref_slice %arg13[%multiple_of3A_42] : memref<800xf32, #tpu.memory_space<vmem>> -> memref<400xf32, #tpu.memory_space<vmem>>
    %dma_wait3A_55 = arith.constant 0 : i32
    %dma_wait3A_56 = tpu.memref_slice %arg4[%dma_wait3A_55] : memref<320000xf32, #tpu.memory_space<hbm>> -> memref<400xf32, #tpu.memory_space<hbm>>
    %dma_wait3A_57 = tpu.memref_slice %arg13[%multiple_of3A_42] : memref<800xf32, #tpu.memory_space<vmem>> -> memref<400xf32, #tpu.memory_space<vmem>>
    %dma_wait3A_58 = arith.constant 0 : i32
    %dma_wait3A_59 = tpu.memref_slice %arg4[%dma_wait3A_58] : memref<320000xf32, #tpu.memory_space<hbm>> -> memref<400xf32, #tpu.memory_space<hbm>>
    tpu.wait_dma2 semaphore(%arg19 : memref<!tpu.dma_semaphore, #tpu.memory_space<semaphore_mem>>) src(%dma_wait3A_59 : memref<400xf32, #tpu.memory_space<hbm>>) dst(%dma_wait3A_57 : memref<400xf32, #tpu.memory_space<vmem>>)
    %dma_wait3A_60 = tpu.memref_slice %arg14[%multiple_of3A_42] : memref<800xf32, #tpu.memory_space<vmem>> -> memref<400xf32, #tpu.memory_space<vmem>>
    %dma_wait3A_61 = arith.constant 0 : i32
    %dma_wait3A_62 = tpu.memref_slice %arg5[%dma_wait3A_61] : memref<320000xf32, #tpu.memory_space<hbm>> -> memref<400xf32, #tpu.memory_space<hbm>>
    %dma_wait3A_63 = tpu.memref_slice %arg14[%multiple_of3A_42] : memref<800xf32, #tpu.memory_space<vmem>> -> memref<400xf32, #tpu.memory_space<vmem>>
    %dma_wait3A_64 = arith.constant 0 : i32
    %dma_wait3A_65 = tpu.memref_slice %arg5[%dma_wait3A_64] : memref<320000xf32, #tpu.memory_space<hbm>> -> memref<400xf32, #tpu.memory_space<hbm>>
    tpu.wait_dma2 semaphore(%arg19 : memref<!tpu.dma_semaphore, #tpu.memory_space<semaphore_mem>>) src(%dma_wait3A_65 : memref<400xf32, #tpu.memory_space<hbm>>) dst(%dma_wait3A_63 : memref<400xf32, #tpu.memory_space<vmem>>)
    %multiple_of3A_66 = arith.constant 0 : i32
    %multiple_of3A_67 = tpu.assume_multiple %multiple_of3A_66, 8 : i32
    %dma_start3A_68 = arith.constant 0 : i32
    %dma_start3A_69 = tpu.memref_slice %arg11[%multiple_of3A_67, %dma_start3A_68] : memref<800x64xf32, #tpu.memory_space<vmem>> -> memref<80x64xf32, #tpu.memory_space<vmem>>
    %dma_start3A_70 = tpu.memref_slice %arg9[%multiple_of3A_67] : memref<800xi32, #tpu.memory_space<vmem>> -> memref<80xi32, #tpu.memory_space<vmem>>
    %dma_start3A_71 = arith.constant 0 : i32
    %dma_start3A_72 = arith.constant 0 : i32
    %dma_start3A_73 = tpu.memref_slice %arg8[%arg0, %dma_start3A_71, %dma_start3A_72] : memref<2x10000x64xf32, #tpu.memory_space<hbm>> -> memref<1x10000x64xf32, #tpu.memory_space<hbm>>
    %dma_start3A_74 = tpu.memref_squeeze %dma_start3A_73 : memref<1x10000x64xf32, #tpu.memory_space<hbm>> -> memref<10000x64xf32, #tpu.memory_space<hbm>>
    %dma_start3A_75 = arith.constant 0 : i32
    %dma_start3A_76 = arith.constant 0 : i32
    %dma_start3A_77 = tpu.memref_slice %dma_start3A_74[%dma_start3A_75, %dma_start3A_76] : memref<10000x64xf32, #tpu.memory_space<hbm>> -> memref<10000x64xf32, #tpu.memory_space<hbm>>
    tpu.enqueue_indirect_dma source(%dma_start3A_77 : memref<10000x64xf32, #tpu.memory_space<hbm>>) target(%dma_start3A_69 : memref<80x64xf32, #tpu.memory_space<vmem>>) offsets(%dma_start3A_70 : memref<80xi32, #tpu.memory_space<vmem>>) semaphore(%arg20 : memref<!tpu.dma_semaphore, #tpu.memory_space<semaphore_mem>>)
    %dma_start3A_78 = arith.constant 0 : i32
    %dma_start3A_79 = tpu.memref_slice %arg12[%multiple_of3A_67, %dma_start3A_78] : memref<800x64xf32, #tpu.memory_space<vmem>> -> memref<80x64xf32, #tpu.memory_space<vmem>>
    %dma_start3A_80 = tpu.memref_slice %arg10[%multiple_of3A_67] : memref<800xi32, #tpu.memory_space<vmem>> -> memref<80xi32, #tpu.memory_space<vmem>>
    %dma_start3A_81 = arith.constant 0 : i32
    %dma_start3A_82 = arith.constant 0 : i32
    %dma_start3A_83 = tpu.memref_slice %arg8[%arg0, %dma_start3A_81, %dma_start3A_82] : memref<2x10000x64xf32, #tpu.memory_space<hbm>> -> memref<1x10000x64xf32, #tpu.memory_space<hbm>>
    %dma_start3A_84 = tpu.memref_squeeze %dma_start3A_83 : memref<1x10000x64xf32, #tpu.memory_space<hbm>> -> memref<10000x64xf32, #tpu.memory_space<hbm>>
    %dma_start3A_85 = arith.constant 0 : i32
    %dma_start3A_86 = arith.constant 0 : i32
    %dma_start3A_87 = tpu.memref_slice %dma_start3A_84[%dma_start3A_85, %dma_start3A_86] : memref<10000x64xf32, #tpu.memory_space<hbm>> -> memref<10000x64xf32, #tpu.memory_space<hbm>>
    tpu.enqueue_indirect_dma source(%dma_start3A_87 : memref<10000x64xf32, #tpu.memory_space<hbm>>) target(%dma_start3A_79 : memref<80x64xf32, #tpu.memory_space<vmem>>) offsets(%dma_start3A_80 : memref<80xi32, #tpu.memory_space<vmem>>) semaphore(%arg20 : memref<!tpu.dma_semaphore, #tpu.memory_space<semaphore_mem>>)
    %multiple_of3A_88 = arith.constant 80 : i32
    %multiple_of3A_89 = tpu.assume_multiple %multiple_of3A_88, 8 : i32
    %dma_start3A_90 = arith.constant 0 : i32
    %dma_start3A_91 = tpu.memref_slice %arg11[%multiple_of3A_89, %dma_start3A_90] : memref<800x64xf32, #tpu.memory_space<vmem>> -> memref<80x64xf32, #tpu.memory_space<vmem>>
    %dma_start3A_92 = tpu.memref_slice %arg9[%multiple_of3A_89] : memref<800xi32, #tpu.memory_space<vmem>> -> memref<80xi32, #tpu.memory_space<vmem>>
    %dma_start3A_93 = arith.constant 0 : i32
    %dma_start3A_94 = arith.constant 0 : i32
    %dma_start3A_95 = tpu.memref_slice %arg8[%arg0, %dma_start3A_93, %dma_start3A_94] : memref<2x10000x64xf32, #tpu.memory_space<hbm>> -> memref<1x10000x64xf32, #tpu.memory_space<hbm>>
    %dma_start3A_96 = tpu.memref_squeeze %dma_start3A_95 : memref<1x10000x64xf32, #tpu.memory_space<hbm>> -> memref<10000x64xf32, #tpu.memory_space<hbm>>
    %dma_start3A_97 = arith.constant 0 : i32
    %dma_start3A_98 = arith.constant 0 : i32
    %dma_start3A_99 = tpu.memref_slice %dma_start3A_96[%dma_start3A_97, %dma_start3A_98] : memref<10000x64xf32, #tpu.memory_space<hbm>> -> memref<10000x64xf32, #tpu.memory_space<hbm>>
    tpu.enqueue_indirect_dma source(%dma_start3A_99 : memref<10000x64xf32, #tpu.memory_space<hbm>>) target(%dma_start3A_91 : memref<80x64xf32, #tpu.memory_space<vmem>>) offsets(%dma_start3A_92 : memref<80xi32, #tpu.memory_space<vmem>>) semaphore(%arg20 : memref<!tpu.dma_semaphore, #tpu.memory_space<semaphore_mem>>)
    %dma_start3A_100 = arith.constant 0 : i32
    %dma_start3A_101 = tpu.memref_slice %arg12[%multiple_of3A_89, %dma_start3A_100] : memref<800x64xf32, #tpu.memory_space<vmem>> -> memref<80x64xf32, #tpu.memory_space<vmem>>
    %dma_start3A_102 = tpu.memref_slice %arg10[%multiple_of3A_89] : memref<800xi32, #tpu.memory_space<vmem>> -> memref<80xi32, #tpu.memory_space<vmem>>
    %dma_start3A_103 = arith.constant 0 : i32
    %dma_start3A_104 = arith.constant 0 : i32
    %dma_start3A_105 = tpu.memref_slice %arg8[%arg0, %dma_start3A_103, %dma_start3A_104] : memref<2x10000x64xf32, #tpu.memory_space<hbm>> -> memref<1x10000x64xf32, #tpu.memory_space<hbm>>
    %dma_start3A_106 = tpu.memref_squeeze %dma_start3A_105 : memref<1x10000x64xf32, #tpu.memory_space<hbm>> -> memref<10000x64xf32, #tpu.memory_space<hbm>>
    %dma_start3A_107 = arith.constant 0 : i32
    %dma_start3A_108 = arith.constant 0 : i32
    %dma_start3A_109 = tpu.memref_slice %dma_start3A_106[%dma_start3A_107, %dma_start3A_108] : memref<10000x64xf32, #tpu.memory_space<hbm>> -> memref<10000x64xf32, #tpu.memory_space<hbm>>
    tpu.enqueue_indirect_dma source(%dma_start3A_109 : memref<10000x64xf32, #tpu.memory_space<hbm>>) target(%dma_start3A_101 : memref<80x64xf32, #tpu.memory_space<vmem>>) offsets(%dma_start3A_102 : memref<80xi32, #tpu.memory_space<vmem>>) semaphore(%arg20 : memref<!tpu.dma_semaphore, #tpu.memory_space<semaphore_mem>>)
    %multiple_of3A_110 = arith.constant 160 : i32
    %multiple_of3A_111 = tpu.assume_multiple %multiple_of3A_110, 8 : i32
    %dma_start3A_112 = arith.constant 0 : i32
    %dma_start3A_113 = tpu.memref_slice %arg11[%multiple_of3A_111, %dma_start3A_112] : memref<800x64xf32, #tpu.memory_space<vmem>> -> memref<80x64xf32, #tpu.memory_space<vmem>>
    %dma_start3A_114 = tpu.memref_slice %arg9[%multiple_of3A_111] : memref<800xi32, #tpu.memory_space<vmem>> -> memref<80xi32, #tpu.memory_space<vmem>>
    %dma_start3A_115 = arith.constant 0 : i32
    %dma_start3A_116 = arith.constant 0 : i32
    %dma_start3A_117 = tpu.memref_slice %arg8[%arg0, %dma_start3A_115, %dma_start3A_116] : memref<2x10000x64xf32, #tpu.memory_space<hbm>> -> memref<1x10000x64xf32, #tpu.memory_space<hbm>>
    %dma_start3A_118 = tpu.memref_squeeze %dma_start3A_117 : memref<1x10000x64xf32, #tpu.memory_space<hbm>> -> memref<10000x64xf32, #tpu.memory_space<hbm>>
    %dma_start3A_119 = arith.constant 0 : i32
    %dma_start3A_120 = arith.constant 0 : i32
    %dma_start3A_121 = tpu.memref_slice %dma_start3A_118[%dma_start3A_119, %dma_start3A_120] : memref<10000x64xf32, #tpu.memory_space<hbm>> -> memref<10000x64xf32, #tpu.memory_space<hbm>>
    tpu.enqueue_indirect_dma source(%dma_start3A_121 : memref<10000x64xf32, #tpu.memory_space<hbm>>) target(%dma_start3A_113 : memref<80x64xf32, #tpu.memory_space<vmem>>) offsets(%dma_start3A_114 : memref<80xi32, #tpu.memory_space<vmem>>) semaphore(%arg20 : memref<!tpu.dma_semaphore, #tpu.memory_space<semaphore_mem>>)
    %dma_start3A_122 = arith.constant 0 : i32
    %dma_start3A_123 = tpu.memref_slice %arg12[%multiple_of3A_111, %dma_start3A_122] : memref<800x64xf32, #tpu.memory_space<vmem>> -> memref<80x64xf32, #tpu.memory_space<vmem>>
    %dma_start3A_124 = tpu.memref_slice %arg10[%multiple_of3A_111] : memref<800xi32, #tpu.memory_space<vmem>> -> memref<80xi32, #tpu.memory_space<vmem>>
    %dma_start3A_125 = arith.constant 0 : i32
    %dma_start3A_126 = arith.constant 0 : i32
    %dma_start3A_127 = tpu.memref_slice %arg8[%arg0, %dma_start3A_125, %dma_start3A_126] : memref<2x10000x64xf32, #tpu.memory_space<hbm>> -> memref<1x10000x64xf32, #tpu.memory_space<hbm>>
    %dma_start3A_128 = tpu.memref_squeeze %dma_start3A_127 : memref<1x10000x64xf32, #tpu.memory_space<hbm>> -> memref<10000x64xf32, #tpu.memory_space<hbm>>
    %dma_start3A_129 = arith.constant 0 : i32
    %dma_start3A_130 = arith.constant 0 : i32
    %dma_start3A_131 = tpu.memref_slice %dma_start3A_128[%dma_start3A_129, %dma_start3A_130] : memref<10000x64xf32, #tpu.memory_space<hbm>> -> memref<10000x64xf32, #tpu.memory_space<hbm>>
    tpu.enqueue_indirect_dma source(%dma_start3A_131 : memref<10000x64xf32, #tpu.memory_space<hbm>>) target(%dma_start3A_123 : memref<80x64xf32, #tpu.memory_space<vmem>>) offsets(%dma_start3A_124 : memref<80xi32, #tpu.memory_space<vmem>>) semaphore(%arg20 : memref<!tpu.dma_semaphore, #tpu.memory_space<semaphore_mem>>)
    %multiple_of3A_132 = arith.constant 240 : i32
    %multiple_of3A_133 = tpu.assume_multiple %multiple_of3A_132, 8 : i32
    %dma_start3A_134 = arith.constant 0 : i32
    %dma_start3A_135 = tpu.memref_slice %arg11[%multiple_of3A_133, %dma_start3A_134] : memref<800x64xf32, #tpu.memory_space<vmem>> -> memref<80x64xf32, #tpu.memory_space<vmem>>
    %dma_start3A_136 = tpu.memref_slice %arg9[%multiple_of3A_133] : memref<800xi32, #tpu.memory_space<vmem>> -> memref<80xi32, #tpu.memory_space<vmem>>
    %dma_start3A_137 = arith.constant 0 : i32
    %dma_start3A_138 = arith.constant 0 : i32
    %dma_start3A_139 = tpu.memref_slice %arg8[%arg0, %dma_start3A_137, %dma_start3A_138] : memref<2x10000x64xf32, #tpu.memory_space<hbm>> -> memref<1x10000x64xf32, #tpu.memory_space<hbm>>
    %dma_start3A_140 = tpu.memref_squeeze %dma_start3A_139 : memref<1x10000x64xf32, #tpu.memory_space<hbm>> -> memref<10000x64xf32, #tpu.memory_space<hbm>>
    %dma_start3A_141 = arith.constant 0 : i32
    %dma_start3A_142 = arith.constant 0 : i32
    %dma_start3A_143 = tpu.memref_slice %dma_start3A_140[%dma_start3A_141, %dma_start3A_142] : memref<10000x64xf32, #tpu.memory_space<hbm>> -> memref<10000x64xf32, #tpu.memory_space<hbm>>
    tpu.enqueue_indirect_dma source(%dma_start3A_143 : memref<10000x64xf32, #tpu.memory_space<hbm>>) target(%dma_start3A_135 : memref<80x64xf32, #tpu.memory_space<vmem>>) offsets(%dma_start3A_136 : memref<80xi32, #tpu.memory_space<vmem>>) semaphore(%arg20 : memref<!tpu.dma_semaphore, #tpu.memory_space<semaphore_mem>>)
    %dma_start3A_144 = arith.constant 0 : i32
    %dma_start3A_145 = tpu.memref_slice %arg12[%multiple_of3A_133, %dma_start3A_144] : memref<800x64xf32, #tpu.memory_space<vmem>> -> memref<80x64xf32, #tpu.memory_space<vmem>>
    %dma_start3A_146 = tpu.memref_slice %arg10[%multiple_of3A_133] : memref<800xi32, #tpu.memory_space<vmem>> -> memref<80xi32, #tpu.memory_space<vmem>>
    %dma_start3A_147 = arith.constant 0 : i32
    %dma_start3A_148 = arith.constant 0 : i32
    %dma_start3A_149 = tpu.memref_slice %arg8[%arg0, %dma_start3A_147, %dma_start3A_148] : memref<2x10000x64xf32, #tpu.memory_space<hbm>> -> memref<1x10000x64xf32, #tpu.memory_space<hbm>>
    %dma_start3A_150 = tpu.memref_squeeze %dma_start3A_149 : memref<1x10000x64xf32, #tpu.memory_space<hbm>> -> memref<10000x64xf32, #tpu.memory_space<hbm>>
    %dma_start3A_151 = arith.constant 0 : i32
    %dma_start3A_152 = arith.constant 0 : i32
    %dma_start3A_153 = tpu.memref_slice %dma_start3A_150[%dma_start3A_151, %dma_start3A_152] : memref<10000x64xf32, #tpu.memory_space<hbm>> -> memref<10000x64xf32, #tpu.memory_space<hbm>>
    tpu.enqueue_indirect_dma source(%dma_start3A_153 : memref<10000x64xf32, #tpu.memory_space<hbm>>) target(%dma_start3A_145 : memref<80x64xf32, #tpu.memory_space<vmem>>) offsets(%dma_start3A_146 : memref<80xi32, #tpu.memory_space<vmem>>) semaphore(%arg20 : memref<!tpu.dma_semaphore, #tpu.memory_space<semaphore_mem>>)
    %multiple_of3A_154 = arith.constant 320 : i32
    %multiple_of3A_155 = tpu.assume_multiple %multiple_of3A_154, 8 : i32
    %dma_start3A_156 = arith.constant 0 : i32
    %dma_start3A_157 = tpu.memref_slice %arg11[%multiple_of3A_155, %dma_start3A_156] : memref<800x64xf32, #tpu.memory_space<vmem>> -> memref<80x64xf32, #tpu.memory_space<vmem>>
    %dma_start3A_158 = tpu.memref_slice %arg9[%multiple_of3A_155] : memref<800xi32, #tpu.memory_space<vmem>> -> memref<80xi32, #tpu.memory_space<vmem>>
    %dma_start3A_159 = arith.constant 0 : i32
    %dma_start3A_160 = arith.constant 0 : i32
    %dma_start3A_161 = tpu.memref_slice %arg8[%arg0, %dma_start3A_159, %dma_start3A_160] : memref<2x10000x64xf32, #tpu.memory_space<hbm>> -> memref<1x10000x64xf32, #tpu.memory_space<hbm>>
    %dma_start3A_162 = tpu.memref_squeeze %dma_start3A_161 : memref<1x10000x64xf32, #tpu.memory_space<hbm>> -> memref<10000x64xf32, #tpu.memory_space<hbm>>
    %dma_start3A_163 = arith.constant 0 : i32
    %dma_start3A_164 = arith.constant 0 : i32
    %dma_start3A_165 = tpu.memref_slice %dma_start3A_162[%dma_start3A_163, %dma_start3A_164] : memref<10000x64xf32, #tpu.memory_space<hbm>> -> memref<10000x64xf32, #tpu.memory_space<hbm>>
    tpu.enqueue_indirect_dma source(%dma_start3A_165 : memref<10000x64xf32, #tpu.memory_space<hbm>>) target(%dma_start3A_157 : memref<80x64xf32, #tpu.memory_space<vmem>>) offsets(%dma_start3A_158 : memref<80xi32, #tpu.memory_space<vmem>>) semaphore(%arg20 : memref<!tpu.dma_semaphore, #tpu.memory_space<semaphore_mem>>)
    %dma_start3A_166 = arith.constant 0 : i32
    %dma_start3A_167 = tpu.memref_slice %arg12[%multiple_of3A_155, %dma_start3A_166] : memref<800x64xf32, #tpu.memory_space<vmem>> -> memref<80x64xf32, #tpu.memory_space<vmem>>
    %dma_start3A_168 = tpu.memref_slice %arg10[%multiple_of3A_155] : memref<800xi32, #tpu.memory_space<vmem>> -> memref<80xi32, #tpu.memory_space<vmem>>
    %dma_start3A_169 = arith.constant 0 : i32
    %dma_start3A_170 = arith.constant 0 : i32
    %dma_start3A_171 = tpu.memref_slice %arg8[%arg0, %dma_start3A_169, %dma_start3A_170] : memref<2x10000x64xf32, #tpu.memory_space<hbm>> -> memref<1x10000x64xf32, #tpu.memory_space<hbm>>
    %dma_start3A_172 = tpu.memref_squeeze %dma_start3A_171 : memref<1x10000x64xf32, #tpu.memory_space<hbm>> -> memref<10000x64xf32, #tpu.memory_space<hbm>>
    %dma_start3A_173 = arith.constant 0 : i32
    %dma_start3A_174 = arith.constant 0 : i32
    %dma_start3A_175 = tpu.memref_slice %dma_start3A_172[%dma_start3A_173, %dma_start3A_174] : memref<10000x64xf32, #tpu.memory_space<hbm>> -> memref<10000x64xf32, #tpu.memory_space<hbm>>
    tpu.enqueue_indirect_dma source(%dma_start3A_175 : memref<10000x64xf32, #tpu.memory_space<hbm>>) target(%dma_start3A_167 : memref<80x64xf32, #tpu.memory_space<vmem>>) offsets(%dma_start3A_168 : memref<80xi32, #tpu.memory_space<vmem>>) semaphore(%arg20 : memref<!tpu.dma_semaphore, #tpu.memory_space<semaphore_mem>>)
    %mul3A_176 = arith.constant 10000 : i32
    %mul3A_177 = arith.muli %add3A, %mul3A_176 : i32
    %add3A_178 = arith.constant 400 : i32
    %add3A_179 = arith.addi %mul3A_177, %add3A_178 : i32
    %multiple_of3A_180 = tpu.assume_multiple %add3A_179, 8 : i32
    %multiple_of3A_181 = arith.constant 400 : i32
    %multiple_of3A_182 = tpu.assume_multiple %multiple_of3A_181, 8 : i32
    %dma_start3A_183 = tpu.memref_slice %arg9[%multiple_of3A_182] : memref<800xi32, #tpu.memory_space<vmem>> -> memref<400xi32, #tpu.memory_space<vmem>>
    %dma_start3A_184 = tpu.memref_slice %arg3[%multiple_of3A_180] : memref<640000xi32, #tpu.memory_space<hbm>> -> memref<400xi32, #tpu.memory_space<hbm>>
    %dma_start3A_185 = tpu.memref_slice %arg9[%multiple_of3A_182] : memref<800xi32, #tpu.memory_space<vmem>> -> memref<400xi32, #tpu.memory_space<vmem>>
    %dma_start3A_186 = tpu.memref_slice %arg3[%multiple_of3A_180] : memref<640000xi32, #tpu.memory_space<hbm>> -> memref<400xi32, #tpu.memory_space<hbm>>
    tpu.enqueue_dma source(%dma_start3A_186 : memref<400xi32, #tpu.memory_space<hbm>>) target(%dma_start3A_185 : memref<400xi32, #tpu.memory_space<vmem>>) target_semaphore(%arg19 : memref<!tpu.dma_semaphore, #tpu.memory_space<semaphore_mem>>)
    %add3A_187 = arith.constant 320000 : i32
    %add3A_188 = arith.addi %add3A_187, %multiple_of3A_180 : i32
    %dma_start3A_189 = tpu.memref_slice %arg10[%multiple_of3A_182] : memref<800xi32, #tpu.memory_space<vmem>> -> memref<400xi32, #tpu.memory_space<vmem>>
    %dma_start3A_190 = tpu.memref_slice %arg3[%add3A_188] : memref<640000xi32, #tpu.memory_space<hbm>> -> memref<400xi32, #tpu.memory_space<hbm>>
    %dma_start3A_191 = tpu.memref_slice %arg10[%multiple_of3A_182] : memref<800xi32, #tpu.memory_space<vmem>> -> memref<400xi32, #tpu.memory_space<vmem>>
    %dma_start3A_192 = tpu.memref_slice %arg3[%add3A_188] : memref<640000xi32, #tpu.memory_space<hbm>> -> memref<400xi32, #tpu.memory_space<hbm>>
    tpu.enqueue_dma source(%dma_start3A_192 : memref<400xi32, #tpu.memory_space<hbm>>) target(%dma_start3A_191 : memref<400xi32, #tpu.memory_space<vmem>>) target_semaphore(%arg19 : memref<!tpu.dma_semaphore, #tpu.memory_space<semaphore_mem>>)
    %dma_start3A_193 = tpu.memref_slice %arg13[%multiple_of3A_182] : memref<800xf32, #tpu.memory_space<vmem>> -> memref<400xf32, #tpu.memory_space<vmem>>
    %dma_start3A_194 = tpu.memref_slice %arg4[%multiple_of3A_180] : memref<320000xf32, #tpu.memory_space<hbm>> -> memref<400xf32, #tpu.memory_space<hbm>>
    %dma_start3A_195 = tpu.memref_slice %arg13[%multiple_of3A_182] : memref<800xf32, #tpu.memory_space<vmem>> -> memref<400xf32, #tpu.memory_space<vmem>>
    %dma_start3A_196 = tpu.memref_slice %arg4[%multiple_of3A_180] : memref<320000xf32, #tpu.memory_space<hbm>> -> memref<400xf32, #tpu.memory_space<hbm>>
    tpu.enqueue_dma source(%dma_start3A_196 : memref<400xf32, #tpu.memory_space<hbm>>) target(%dma_start3A_195 : memref<400xf32, #tpu.memory_space<vmem>>) target_semaphore(%arg19 : memref<!tpu.dma_semaphore, #tpu.memory_space<semaphore_mem>>)
    %dma_start3A_197 = tpu.memref_slice %arg14[%multiple_of3A_182] : memref<800xf32, #tpu.memory_space<vmem>> -> memref<400xf32, #tpu.memory_space<vmem>>
    %dma_start3A_198 = tpu.memref_slice %arg5[%multiple_of3A_180] : memref<320000xf32, #tpu.memory_space<hbm>> -> memref<400xf32, #tpu.memory_space<hbm>>
    %dma_start3A_199 = tpu.memref_slice %arg14[%multiple_of3A_182] : memref<800xf32, #tpu.memory_space<vmem>> -> memref<400xf32, #tpu.memory_space<vmem>>
    %dma_start3A_200 = tpu.memref_slice %arg5[%multiple_of3A_180] : memref<320000xf32, #tpu.memory_space<hbm>> -> memref<400xf32, #tpu.memory_space<hbm>>
    tpu.enqueue_dma source(%dma_start3A_200 : memref<400xf32, #tpu.memory_space<hbm>>) target(%dma_start3A_199 : memref<400xf32, #tpu.memory_space<vmem>>) target_semaphore(%arg19 : memref<!tpu.dma_semaphore, #tpu.memory_space<semaphore_mem>>)
    %broadcast_in_dim3A = arith.constant 0.000000e+00 : f32
    %broadcast_in_dim3A_201 = vector.broadcast %broadcast_in_dim3A : f32 to vector<16xf32>
    %scan3A_202 = arith.constant 0 : i32
    %scan3A_203 = arith.constant 25 : i32
    %scan3A_204 = arith.addi %scan3A_202, %scan3A_203 : i32
    %scan3A_205 = arith.constant 1 : i32
    %scan3A_206 = scf.for %scan3A_209 = %scan3A_202 to %scan3A_204 step %scan3A_205 iter_args(%scan3A_210 = %broadcast_in_dim3A_201) -> (vector<16xf32>)  : i32 {
      %rem3A = arith.constant 2 : i32
      %rem3A_211 = arith.remsi %scan3A_209, %rem3A : i32
      %sub3A = arith.constant 1 : i32
      %sub3A_212 = arith.subi %sub3A, %rem3A_211 : i32
      %mul3A_213 = arith.constant 400 : i32
      %mul3A_214 = arith.muli %rem3A_211, %mul3A_213 : i32
      %add3A_215 = arith.constant 0 : i32
      %add3A_216 = arith.addi %mul3A_214, %add3A_215 : i32
      %multiple_of3A_217 = tpu.assume_multiple %add3A_216, 8 : i32
      %dma_wait3A_218 = arith.constant 0 : i32
      %dma_wait3A_219 = tpu.memref_slice %arg11[%multiple_of3A_217, %dma_wait3A_218] : memref<800x64xf32, #tpu.memory_space<vmem>> -> memref<80x64xf32, #tpu.memory_space<vmem>>
      %dma_wait3A_220 = tpu.memref_slice %arg9[%multiple_of3A_217] : memref<800xi32, #tpu.memory_space<vmem>> -> memref<80xi32, #tpu.memory_space<vmem>>
      %dma_wait3A_221 = arith.constant 0 : i32
      %dma_wait3A_222 = arith.constant 0 : i32
      %dma_wait3A_223 = tpu.memref_slice %arg8[%arg0, %dma_wait3A_221, %dma_wait3A_222] : memref<2x10000x64xf32, #tpu.memory_space<hbm>> -> memref<1x10000x64xf32, #tpu.memory_space<hbm>>
      %dma_wait3A_224 = tpu.memref_squeeze %dma_wait3A_223 : memref<1x10000x64xf32, #tpu.memory_space<hbm>> -> memref<10000x64xf32, #tpu.memory_space<hbm>>
      %dma_wait3A_225 = arith.constant 0 : i32
      %dma_wait3A_226 = arith.constant 0 : i32
      %dma_wait3A_227 = tpu.memref_slice %dma_wait3A_224[%dma_wait3A_225, %dma_wait3A_226] : memref<10000x64xf32, #tpu.memory_space<hbm>> -> memref<10000x64xf32, #tpu.memory_space<hbm>>
      tpu.wait_indirect_dma semaphore(%arg20 : memref<!tpu.dma_semaphore, #tpu.memory_space<semaphore_mem>>) src(%dma_wait3A_227 : memref<10000x64xf32, #tpu.memory_space<hbm>>) dst(%dma_wait3A_219 : memref<80x64xf32, #tpu.memory_space<vmem>>)
      %dma_wait3A_228 = arith.constant 0 : i32
      %dma_wait3A_229 = tpu.memref_slice %arg12[%multiple_of3A_217, %dma_wait3A_228] : memref<800x64xf32, #tpu.memory_space<vmem>> -> memref<80x64xf32, #tpu.memory_space<vmem>>
      %dma_wait3A_230 = tpu.memref_slice %arg10[%multiple_of3A_217] : memref<800xi32, #tpu.memory_space<vmem>> -> memref<80xi32, #tpu.memory_space<vmem>>
      %dma_wait3A_231 = arith.constant 0 : i32
      %dma_wait3A_232 = arith.constant 0 : i32
      %dma_wait3A_233 = tpu.memref_slice %arg8[%arg0, %dma_wait3A_231, %dma_wait3A_232] : memref<2x10000x64xf32, #tpu.memory_space<hbm>> -> memref<1x10000x64xf32, #tpu.memory_space<hbm>>
      %dma_wait3A_234 = tpu.memref_squeeze %dma_wait3A_233 : memref<1x10000x64xf32, #tpu.memory_space<hbm>> -> memref<10000x64xf32, #tpu.memory_space<hbm>>
      %dma_wait3A_235 = arith.constant 0 : i32
      %dma_wait3A_236 = arith.constant 0 : i32
      %dma_wait3A_237 = tpu.memref_slice %dma_wait3A_234[%dma_wait3A_235, %dma_wait3A_236] : memref<10000x64xf32, #tpu.memory_space<hbm>> -> memref<10000x64xf32, #tpu.memory_space<hbm>>
      tpu.wait_indirect_dma semaphore(%arg20 : memref<!tpu.dma_semaphore, #tpu.memory_space<semaphore_mem>>) src(%dma_wait3A_237 : memref<10000x64xf32, #tpu.memory_space<hbm>>) dst(%dma_wait3A_229 : memref<80x64xf32, #tpu.memory_space<vmem>>)
      %mul3A_238 = arith.constant 400 : i32
      %mul3A_239 = arith.muli %rem3A_211, %mul3A_238 : i32
      %add3A_240 = arith.constant 80 : i32
      %add3A_241 = arith.addi %mul3A_239, %add3A_240 : i32
      %multiple_of3A_242 = tpu.assume_multiple %add3A_241, 8 : i32
      %dma_wait3A_243 = arith.constant 0 : i32
      %dma_wait3A_244 = tpu.memref_slice %arg11[%multiple_of3A_242, %dma_wait3A_243] : memref<800x64xf32, #tpu.memory_space<vmem>> -> memref<80x64xf32, #tpu.memory_space<vmem>>
      %dma_wait3A_245 = tpu.memref_slice %arg9[%multiple_of3A_242] : memref<800xi32, #tpu.memory_space<vmem>> -> memref<80xi32, #tpu.memory_space<vmem>>
      %dma_wait3A_246 = arith.constant 0 : i32
      %dma_wait3A_247 = arith.constant 0 : i32
      %dma_wait3A_248 = tpu.memref_slice %arg8[%arg0, %dma_wait3A_246, %dma_wait3A_247] : memref<2x10000x64xf32, #tpu.memory_space<hbm>> -> memref<1x10000x64xf32, #tpu.memory_space<hbm>>
      %dma_wait3A_249 = tpu.memref_squeeze %dma_wait3A_248 : memref<1x10000x64xf32, #tpu.memory_space<hbm>> -> memref<10000x64xf32, #tpu.memory_space<hbm>>
      %dma_wait3A_250 = arith.constant 0 : i32
      %dma_wait3A_251 = arith.constant 0 : i32
      %dma_wait3A_252 = tpu.memref_slice %dma_wait3A_249[%dma_wait3A_250, %dma_wait3A_251] : memref<10000x64xf32, #tpu.memory_space<hbm>> -> memref<10000x64xf32, #tpu.memory_space<hbm>>
      tpu.wait_indirect_dma semaphore(%arg20 : memref<!tpu.dma_semaphore, #tpu.memory_space<semaphore_mem>>) src(%dma_wait3A_252 : memref<10000x64xf32, #tpu.memory_space<hbm>>) dst(%dma_wait3A_244 : memref<80x64xf32, #tpu.memory_space<vmem>>)
      %dma_wait3A_253 = arith.constant 0 : i32
      %dma_wait3A_254 = tpu.memref_slice %arg12[%multiple_of3A_242, %dma_wait3A_253] : memref<800x64xf32, #tpu.memory_space<vmem>> -> memref<80x64xf32, #tpu.memory_space<vmem>>
      %dma_wait3A_255 = tpu.memref_slice %arg10[%multiple_of3A_242] : memref<800xi32, #tpu.memory_space<vmem>> -> memref<80xi32, #tpu.memory_space<vmem>>
      %dma_wait3A_256 = arith.constant 0 : i32
      %dma_wait3A_257 = arith.constant 0 : i32
      %dma_wait3A_258 = tpu.memref_slice %arg8[%arg0, %dma_wait3A_256, %dma_wait3A_257] : memref<2x10000x64xf32, #tpu.memory_space<hbm>> -> memref<1x10000x64xf32, #tpu.memory_space<hbm>>
      %dma_wait3A_259 = tpu.memref_squeeze %dma_wait3A_258 : memref<1x10000x64xf32, #tpu.memory_space<hbm>> -> memref<10000x64xf32, #tpu.memory_space<hbm>>
      %dma_wait3A_260 = arith.constant 0 : i32
      %dma_wait3A_261 = arith.constant 0 : i32
      %dma_wait3A_262 = tpu.memref_slice %dma_wait3A_259[%dma_wait3A_260, %dma_wait3A_261] : memref<10000x64xf32, #tpu.memory_space<hbm>> -> memref<10000x64xf32, #tpu.memory_space<hbm>>
      tpu.wait_indirect_dma semaphore(%arg20 : memref<!tpu.dma_semaphore, #tpu.memory_space<semaphore_mem>>) src(%dma_wait3A_262 : memref<10000x64xf32, #tpu.memory_space<hbm>>) dst(%dma_wait3A_254 : memref<80x64xf32, #tpu.memory_space<vmem>>)
      %mul3A_263 = arith.constant 400 : i32
      %mul3A_264 = arith.muli %rem3A_211, %mul3A_263 : i32
      %add3A_265 = arith.constant 160 : i32
      %add3A_266 = arith.addi %mul3A_264, %add3A_265 : i32
      %multiple_of3A_267 = tpu.assume_multiple %add3A_266, 8 : i32
      %dma_wait3A_268 = arith.constant 0 : i32
      %dma_wait3A_269 = tpu.memref_slice %arg11[%multiple_of3A_267, %dma_wait3A_268] : memref<800x64xf32, #tpu.memory_space<vmem>> -> memref<80x64xf32, #tpu.memory_space<vmem>>
      %dma_wait3A_270 = tpu.memref_slice %arg9[%multiple_of3A_267] : memref<800xi32, #tpu.memory_space<vmem>> -> memref<80xi32, #tpu.memory_space<vmem>>
      %dma_wait3A_271 = arith.constant 0 : i32
      %dma_wait3A_272 = arith.constant 0 : i32
      %dma_wait3A_273 = tpu.memref_slice %arg8[%arg0, %dma_wait3A_271, %dma_wait3A_272] : memref<2x10000x64xf32, #tpu.memory_space<hbm>> -> memref<1x10000x64xf32, #tpu.memory_space<hbm>>
      %dma_wait3A_274 = tpu.memref_squeeze %dma_wait3A_273 : memref<1x10000x64xf32, #tpu.memory_space<hbm>> -> memref<10000x64xf32, #tpu.memory_space<hbm>>
      %dma_wait3A_275 = arith.constant 0 : i32
      %dma_wait3A_276 = arith.constant 0 : i32
      %dma_wait3A_277 = tpu.memref_slice %dma_wait3A_274[%dma_wait3A_275, %dma_wait3A_276] : memref<10000x64xf32, #tpu.memory_space<hbm>> -> memref<10000x64xf32, #tpu.memory_space<hbm>>
      tpu.wait_indirect_dma semaphore(%arg20 : memref<!tpu.dma_semaphore, #tpu.memory_space<semaphore_mem>>) src(%dma_wait3A_277 : memref<10000x64xf32, #tpu.memory_space<hbm>>) dst(%dma_wait3A_269 : memref<80x64xf32, #tpu.memory_space<vmem>>)
      %dma_wait3A_278 = arith.constant 0 : i32
      %dma_wait3A_279 = tpu.memref_slice %arg12[%multiple_of3A_267, %dma_wait3A_278] : memref<800x64xf32, #tpu.memory_space<vmem>> -> memref<80x64xf32, #tpu.memory_space<vmem>>
      %dma_wait3A_280 = tpu.memref_slice %arg10[%multiple_of3A_267] : memref<800xi32, #tpu.memory_space<vmem>> -> memref<80xi32, #tpu.memory_space<vmem>>
      %dma_wait3A_281 = arith.constant 0 : i32
      %dma_wait3A_282 = arith.constant 0 : i32
      %dma_wait3A_283 = tpu.memref_slice %arg8[%arg0, %dma_wait3A_281, %dma_wait3A_282] : memref<2x10000x64xf32, #tpu.memory_space<hbm>> -> memref<1x10000x64xf32, #tpu.memory_space<hbm>>
      %dma_wait3A_284 = tpu.memref_squeeze %dma_wait3A_283 : memref<1x10000x64xf32, #tpu.memory_space<hbm>> -> memref<10000x64xf32, #tpu.memory_space<hbm>>
      %dma_wait3A_285 = arith.constant 0 : i32
      %dma_wait3A_286 = arith.constant 0 : i32
      %dma_wait3A_287 = tpu.memref_slice %dma_wait3A_284[%dma_wait3A_285, %dma_wait3A_286] : memref<10000x64xf32, #tpu.memory_space<hbm>> -> memref<10000x64xf32, #tpu.memory_space<hbm>>
      tpu.wait_indirect_dma semaphore(%arg20 : memref<!tpu.dma_semaphore, #tpu.memory_space<semaphore_mem>>) src(%dma_wait3A_287 : memref<10000x64xf32, #tpu.memory_space<hbm>>) dst(%dma_wait3A_279 : memref<80x64xf32, #tpu.memory_space<vmem>>)
      %mul3A_288 = arith.constant 400 : i32
      %mul3A_289 = arith.muli %rem3A_211, %mul3A_288 : i32
      %add3A_290 = arith.constant 240 : i32
      %add3A_291 = arith.addi %mul3A_289, %add3A_290 : i32
      %multiple_of3A_292 = tpu.assume_multiple %add3A_291, 8 : i32
      %dma_wait3A_293 = arith.constant 0 : i32
      %dma_wait3A_294 = tpu.memref_slice %arg11[%multiple_of3A_292, %dma_wait3A_293] : memref<800x64xf32, #tpu.memory_space<vmem>> -> memref<80x64xf32, #tpu.memory_space<vmem>>
      %dma_wait3A_295 = tpu.memref_slice %arg9[%multiple_of3A_292] : memref<800xi32, #tpu.memory_space<vmem>> -> memref<80xi32, #tpu.memory_space<vmem>>
      %dma_wait3A_296 = arith.constant 0 : i32
      %dma_wait3A_297 = arith.constant 0 : i32
      %dma_wait3A_298 = tpu.memref_slice %arg8[%arg0, %dma_wait3A_296, %dma_wait3A_297] : memref<2x10000x64xf32, #tpu.memory_space<hbm>> -> memref<1x10000x64xf32, #tpu.memory_space<hbm>>
      %dma_wait3A_299 = tpu.memref_squeeze %dma_wait3A_298 : memref<1x10000x64xf32, #tpu.memory_space<hbm>> -> memref<10000x64xf32, #tpu.memory_space<hbm>>
      %dma_wait3A_300 = arith.constant 0 : i32
      %dma_wait3A_301 = arith.constant 0 : i32
      %dma_wait3A_302 = tpu.memref_slice %dma_wait3A_299[%dma_wait3A_300, %dma_wait3A_301] : memref<10000x64xf32, #tpu.memory_space<hbm>> -> memref<10000x64xf32, #tpu.memory_space<hbm>>
      tpu.wait_indirect_dma semaphore(%arg20 : memref<!tpu.dma_semaphore, #tpu.memory_space<semaphore_mem>>) src(%dma_wait3A_302 : memref<10000x64xf32, #tpu.memory_space<hbm>>) dst(%dma_wait3A_294 : memref<80x64xf32, #tpu.memory_space<vmem>>)
      %dma_wait3A_303 = arith.constant 0 : i32
      %dma_wait3A_304 = tpu.memref_slice %arg12[%multiple_of3A_292, %dma_wait3A_303] : memref<800x64xf32, #tpu.memory_space<vmem>> -> memref<80x64xf32, #tpu.memory_space<vmem>>
      %dma_wait3A_305 = tpu.memref_slice %arg10[%multiple_of3A_292] : memref<800xi32, #tpu.memory_space<vmem>> -> memref<80xi32, #tpu.memory_space<vmem>>
      %dma_wait3A_306 = arith.constant 0 : i32
      %dma_wait3A_307 = arith.constant 0 : i32
      %dma_wait3A_308 = tpu.memref_slice %arg8[%arg0, %dma_wait3A_306, %dma_wait3A_307] : memref<2x10000x64xf32, #tpu.memory_space<hbm>> -> memref<1x10000x64xf32, #tpu.memory_space<hbm>>
      %dma_wait3A_309 = tpu.memref_squeeze %dma_wait3A_308 : memref<1x10000x64xf32, #tpu.memory_space<hbm>> -> memref<10000x64xf32, #tpu.memory_space<hbm>>
      %dma_wait3A_310 = arith.constant 0 : i32
      %dma_wait3A_311 = arith.constant 0 : i32
      %dma_wait3A_312 = tpu.memref_slice %dma_wait3A_309[%dma_wait3A_310, %dma_wait3A_311] : memref<10000x64xf32, #tpu.memory_space<hbm>> -> memref<10000x64xf32, #tpu.memory_space<hbm>>
      tpu.wait_indirect_dma semaphore(%arg20 : memref<!tpu.dma_semaphore, #tpu.memory_space<semaphore_mem>>) src(%dma_wait3A_312 : memref<10000x64xf32, #tpu.memory_space<hbm>>) dst(%dma_wait3A_304 : memref<80x64xf32, #tpu.memory_space<vmem>>)
      %mul3A_313 = arith.constant 400 : i32
      %mul3A_314 = arith.muli %rem3A_211, %mul3A_313 : i32
      %add3A_315 = arith.constant 320 : i32
      %add3A_316 = arith.addi %mul3A_314, %add3A_315 : i32
      %multiple_of3A_317 = tpu.assume_multiple %add3A_316, 8 : i32
      %dma_wait3A_318 = arith.constant 0 : i32
      %dma_wait3A_319 = tpu.memref_slice %arg11[%multiple_of3A_317, %dma_wait3A_318] : memref<800x64xf32, #tpu.memory_space<vmem>> -> memref<80x64xf32, #tpu.memory_space<vmem>>
      %dma_wait3A_320 = tpu.memref_slice %arg9[%multiple_of3A_317] : memref<800xi32, #tpu.memory_space<vmem>> -> memref<80xi32, #tpu.memory_space<vmem>>
      %dma_wait3A_321 = arith.constant 0 : i32
      %dma_wait3A_322 = arith.constant 0 : i32
      %dma_wait3A_323 = tpu.memref_slice %arg8[%arg0, %dma_wait3A_321, %dma_wait3A_322] : memref<2x10000x64xf32, #tpu.memory_space<hbm>> -> memref<1x10000x64xf32, #tpu.memory_space<hbm>>
      %dma_wait3A_324 = tpu.memref_squeeze %dma_wait3A_323 : memref<1x10000x64xf32, #tpu.memory_space<hbm>> -> memref<10000x64xf32, #tpu.memory_space<hbm>>
      %dma_wait3A_325 = arith.constant 0 : i32
      %dma_wait3A_326 = arith.constant 0 : i32
      %dma_wait3A_327 = tpu.memref_slice %dma_wait3A_324[%dma_wait3A_325, %dma_wait3A_326] : memref<10000x64xf32, #tpu.memory_space<hbm>> -> memref<10000x64xf32, #tpu.memory_space<hbm>>
      tpu.wait_indirect_dma semaphore(%arg20 : memref<!tpu.dma_semaphore, #tpu.memory_space<semaphore_mem>>) src(%dma_wait3A_327 : memref<10000x64xf32, #tpu.memory_space<hbm>>) dst(%dma_wait3A_319 : memref<80x64xf32, #tpu.memory_space<vmem>>)
      %dma_wait3A_328 = arith.constant 0 : i32
      %dma_wait3A_329 = tpu.memref_slice %arg12[%multiple_of3A_317, %dma_wait3A_328] : memref<800x64xf32, #tpu.memory_space<vmem>> -> memref<80x64xf32, #tpu.memory_space<vmem>>
      %dma_wait3A_330 = tpu.memref_slice %arg10[%multiple_of3A_317] : memref<800xi32, #tpu.memory_space<vmem>> -> memref<80xi32, #tpu.memory_space<vmem>>
      %dma_wait3A_331 = arith.constant 0 : i32
      %dma_wait3A_332 = arith.constant 0 : i32
      %dma_wait3A_333 = tpu.memref_slice %arg8[%arg0, %dma_wait3A_331, %dma_wait3A_332] : memref<2x10000x64xf32, #tpu.memory_space<hbm>> -> memref<1x10000x64xf32, #tpu.memory_space<hbm>>
      %dma_wait3A_334 = tpu.memref_squeeze %dma_wait3A_333 : memref<1x10000x64xf32, #tpu.memory_space<hbm>> -> memref<10000x64xf32, #tpu.memory_space<hbm>>
      %dma_wait3A_335 = arith.constant 0 : i32
      %dma_wait3A_336 = arith.constant 0 : i32
      %dma_wait3A_337 = tpu.memref_slice %dma_wait3A_334[%dma_wait3A_335, %dma_wait3A_336] : memref<10000x64xf32, #tpu.memory_space<hbm>> -> memref<10000x64xf32, #tpu.memory_space<hbm>>
      tpu.wait_indirect_dma semaphore(%arg20 : memref<!tpu.dma_semaphore, #tpu.memory_space<semaphore_mem>>) src(%dma_wait3A_337 : memref<10000x64xf32, #tpu.memory_space<hbm>>) dst(%dma_wait3A_329 : memref<80x64xf32, #tpu.memory_space<vmem>>)
      %add3A_338 = arith.constant 1 : i32
      %add3A_339 = arith.addi %scan3A_209, %add3A_338 : i32
      %lt3A = arith.constant 25 : i32
      %lt3A_340 = arith.cmpi slt, %add3A_339, %lt3A : i32
      %convert_element_type3A = arith.extui %lt3A_340 : i1 to i32
      %cond3A = arith.constant 0 : i32
      %cond3A_341 = arith.cmpi ne, %convert_element_type3A, %cond3A : i32
      scf.if %cond3A_341 {
        %mul3A_355 = arith.constant 400 : i32
        %mul3A_356 = arith.muli %sub3A_212, %mul3A_355 : i32
        %multiple_of3A_357 = tpu.assume_multiple %mul3A_356, 8 : i32
        %dma_wait3A_358 = tpu.memref_slice %arg9[%multiple_of3A_357] : memref<800xi32, #tpu.memory_space<vmem>> -> memref<400xi32, #tpu.memory_space<vmem>>
        %dma_wait3A_359 = arith.constant 0 : i32
        %dma_wait3A_360 = tpu.memref_slice %arg3[%dma_wait3A_359] : memref<640000xi32, #tpu.memory_space<hbm>> -> memref<400xi32, #tpu.memory_space<hbm>>
        %dma_wait3A_361 = tpu.memref_slice %arg9[%multiple_of3A_357] : memref<800xi32, #tpu.memory_space<vmem>> -> memref<400xi32, #tpu.memory_space<vmem>>
        %dma_wait3A_362 = arith.constant 0 : i32
        %dma_wait3A_363 = tpu.memref_slice %arg3[%dma_wait3A_362] : memref<640000xi32, #tpu.memory_space<hbm>> -> memref<400xi32, #tpu.memory_space<hbm>>
        tpu.wait_dma2 semaphore(%arg19 : memref<!tpu.dma_semaphore, #tpu.memory_space<semaphore_mem>>) src(%dma_wait3A_363 : memref<400xi32, #tpu.memory_space<hbm>>) dst(%dma_wait3A_361 : memref<400xi32, #tpu.memory_space<vmem>>)
        %dma_wait3A_364 = tpu.memref_slice %arg10[%multiple_of3A_357] : memref<800xi32, #tpu.memory_space<vmem>> -> memref<400xi32, #tpu.memory_space<vmem>>
        %dma_wait3A_365 = arith.constant 0 : i32
        %dma_wait3A_366 = tpu.memref_slice %arg3[%dma_wait3A_365] : memref<640000xi32, #tpu.memory_space<hbm>> -> memref<400xi32, #tpu.memory_space<hbm>>
        %dma_wait3A_367 = tpu.memref_slice %arg10[%multiple_of3A_357] : memref<800xi32, #tpu.memory_space<vmem>> -> memref<400xi32, #tpu.memory_space<vmem>>
        %dma_wait3A_368 = arith.constant 0 : i32
        %dma_wait3A_369 = tpu.memref_slice %arg3[%dma_wait3A_368] : memref<640000xi32, #tpu.memory_space<hbm>> -> memref<400xi32, #tpu.memory_space<hbm>>
        tpu.wait_dma2 semaphore(%arg19 : memref<!tpu.dma_semaphore, #tpu.memory_space<semaphore_mem>>) src(%dma_wait3A_369 : memref<400xi32, #tpu.memory_space<hbm>>) dst(%dma_wait3A_367 : memref<400xi32, #tpu.memory_space<vmem>>)
        %dma_wait3A_370 = tpu.memref_slice %arg13[%multiple_of3A_357] : memref<800xf32, #tpu.memory_space<vmem>> -> memref<400xf32, #tpu.memory_space<vmem>>
        %dma_wait3A_371 = arith.constant 0 : i32
        %dma_wait3A_372 = tpu.memref_slice %arg4[%dma_wait3A_371] : memref<320000xf32, #tpu.memory_space<hbm>> -> memref<400xf32, #tpu.memory_space<hbm>>
        %dma_wait3A_373 = tpu.memref_slice %arg13[%multiple_of3A_357] : memref<800xf32, #tpu.memory_space<vmem>> -> memref<400xf32, #tpu.memory_space<vmem>>
        %dma_wait3A_374 = arith.constant 0 : i32
        %dma_wait3A_375 = tpu.memref_slice %arg4[%dma_wait3A_374] : memref<320000xf32, #tpu.memory_space<hbm>> -> memref<400xf32, #tpu.memory_space<hbm>>
        tpu.wait_dma2 semaphore(%arg19 : memref<!tpu.dma_semaphore, #tpu.memory_space<semaphore_mem>>) src(%dma_wait3A_375 : memref<400xf32, #tpu.memory_space<hbm>>) dst(%dma_wait3A_373 : memref<400xf32, #tpu.memory_space<vmem>>)
        %dma_wait3A_376 = tpu.memref_slice %arg14[%multiple_of3A_357] : memref<800xf32, #tpu.memory_space<vmem>> -> memref<400xf32, #tpu.memory_space<vmem>>
        %dma_wait3A_377 = arith.constant 0 : i32
        %dma_wait3A_378 = tpu.memref_slice %arg5[%dma_wait3A_377] : memref<320000xf32, #tpu.memory_space<hbm>> -> memref<400xf32, #tpu.memory_space<hbm>>
        %dma_wait3A_379 = tpu.memref_slice %arg14[%multiple_of3A_357] : memref<800xf32, #tpu.memory_space<vmem>> -> memref<400xf32, #tpu.memory_space<vmem>>
        %dma_wait3A_380 = arith.constant 0 : i32
        %dma_wait3A_381 = tpu.memref_slice %arg5[%dma_wait3A_380] : memref<320000xf32, #tpu.memory_space<hbm>> -> memref<400xf32, #tpu.memory_space<hbm>>
        tpu.wait_dma2 semaphore(%arg19 : memref<!tpu.dma_semaphore, #tpu.memory_space<semaphore_mem>>) src(%dma_wait3A_381 : memref<400xf32, #tpu.memory_space<hbm>>) dst(%dma_wait3A_379 : memref<400xf32, #tpu.memory_space<vmem>>)
        %mul3A_382 = arith.constant 400 : i32
        %mul3A_383 = arith.muli %sub3A_212, %mul3A_382 : i32
        %add3A_384 = arith.constant 0 : i32
        %add3A_385 = arith.addi %mul3A_383, %add3A_384 : i32
        %multiple_of3A_386 = tpu.assume_multiple %add3A_385, 8 : i32
        %dma_start3A_387 = arith.constant 0 : i32
        %dma_start3A_388 = tpu.memref_slice %arg11[%multiple_of3A_386, %dma_start3A_387] : memref<800x64xf32, #tpu.memory_space<vmem>> -> memref<80x64xf32, #tpu.memory_space<vmem>>
        %dma_start3A_389 = tpu.memref_slice %arg9[%multiple_of3A_386] : memref<800xi32, #tpu.memory_space<vmem>> -> memref<80xi32, #tpu.memory_space<vmem>>
        %dma_start3A_390 = arith.constant 0 : i32
        %dma_start3A_391 = arith.constant 0 : i32
        %dma_start3A_392 = tpu.memref_slice %arg8[%arg0, %dma_start3A_390, %dma_start3A_391] : memref<2x10000x64xf32, #tpu.memory_space<hbm>> -> memref<1x10000x64xf32, #tpu.memory_space<hbm>>
        %dma_start3A_393 = tpu.memref_squeeze %dma_start3A_392 : memref<1x10000x64xf32, #tpu.memory_space<hbm>> -> memref<10000x64xf32, #tpu.memory_space<hbm>>
        %dma_start3A_394 = arith.constant 0 : i32
        %dma_start3A_395 = arith.constant 0 : i32
        %dma_start3A_396 = tpu.memref_slice %dma_start3A_393[%dma_start3A_394, %dma_start3A_395] : memref<10000x64xf32, #tpu.memory_space<hbm>> -> memref<10000x64xf32, #tpu.memory_space<hbm>>
        tpu.enqueue_indirect_dma source(%dma_start3A_396 : memref<10000x64xf32, #tpu.memory_space<hbm>>) target(%dma_start3A_388 : memref<80x64xf32, #tpu.memory_space<vmem>>) offsets(%dma_start3A_389 : memref<80xi32, #tpu.memory_space<vmem>>) semaphore(%arg20 : memref<!tpu.dma_semaphore, #tpu.memory_space<semaphore_mem>>)
        %dma_start3A_397 = arith.constant 0 : i32
        %dma_start3A_398 = tpu.memref_slice %arg12[%multiple_of3A_386, %dma_start3A_397] : memref<800x64xf32, #tpu.memory_space<vmem>> -> memref<80x64xf32, #tpu.memory_space<vmem>>
        %dma_start3A_399 = tpu.memref_slice %arg10[%multiple_of3A_386] : memref<800xi32, #tpu.memory_space<vmem>> -> memref<80xi32, #tpu.memory_space<vmem>>
        %dma_start3A_400 = arith.constant 0 : i32
        %dma_start3A_401 = arith.constant 0 : i32
        %dma_start3A_402 = tpu.memref_slice %arg8[%arg0, %dma_start3A_400, %dma_start3A_401] : memref<2x10000x64xf32, #tpu.memory_space<hbm>> -> memref<1x10000x64xf32, #tpu.memory_space<hbm>>
        %dma_start3A_403 = tpu.memref_squeeze %dma_start3A_402 : memref<1x10000x64xf32, #tpu.memory_space<hbm>> -> memref<10000x64xf32, #tpu.memory_space<hbm>>
        %dma_start3A_404 = arith.constant 0 : i32
        %dma_start3A_405 = arith.constant 0 : i32
        %dma_start3A_406 = tpu.memref_slice %dma_start3A_403[%dma_start3A_404, %dma_start3A_405] : memref<10000x64xf32, #tpu.memory_space<hbm>> -> memref<10000x64xf32, #tpu.memory_space<hbm>>
        tpu.enqueue_indirect_dma source(%dma_start3A_406 : memref<10000x64xf32, #tpu.memory_space<hbm>>) target(%dma_start3A_398 : memref<80x64xf32, #tpu.memory_space<vmem>>) offsets(%dma_start3A_399 : memref<80xi32, #tpu.memory_space<vmem>>) semaphore(%arg20 : memref<!tpu.dma_semaphore, #tpu.memory_space<semaphore_mem>>)
        %mul3A_407 = arith.constant 400 : i32
        %mul3A_408 = arith.muli %sub3A_212, %mul3A_407 : i32
        %add3A_409 = arith.constant 80 : i32
        %add3A_410 = arith.addi %mul3A_408, %add3A_409 : i32
        %multiple_of3A_411 = tpu.assume_multiple %add3A_410, 8 : i32
        %dma_start3A_412 = arith.constant 0 : i32
        %dma_start3A_413 = tpu.memref_slice %arg11[%multiple_of3A_411, %dma_start3A_412] : memref<800x64xf32, #tpu.memory_space<vmem>> -> memref<80x64xf32, #tpu.memory_space<vmem>>
        %dma_start3A_414 = tpu.memref_slice %arg9[%multiple_of3A_411] : memref<800xi32, #tpu.memory_space<vmem>> -> memref<80xi32, #tpu.memory_space<vmem>>
        %dma_start3A_415 = arith.constant 0 : i32
        %dma_start3A_416 = arith.constant 0 : i32
        %dma_start3A_417 = tpu.memref_slice %arg8[%arg0, %dma_start3A_415, %dma_start3A_416] : memref<2x10000x64xf32, #tpu.memory_space<hbm>> -> memref<1x10000x64xf32, #tpu.memory_space<hbm>>
        %dma_start3A_418 = tpu.memref_squeeze %dma_start3A_417 : memref<1x10000x64xf32, #tpu.memory_space<hbm>> -> memref<10000x64xf32, #tpu.memory_space<hbm>>
        %dma_start3A_419 = arith.constant 0 : i32
        %dma_start3A_420 = arith.constant 0 : i32
        %dma_start3A_421 = tpu.memref_slice %dma_start3A_418[%dma_start3A_419, %dma_start3A_420] : memref<10000x64xf32, #tpu.memory_space<hbm>> -> memref<10000x64xf32, #tpu.memory_space<hbm>>
        tpu.enqueue_indirect_dma source(%dma_start3A_421 : memref<10000x64xf32, #tpu.memory_space<hbm>>) target(%dma_start3A_413 : memref<80x64xf32, #tpu.memory_space<vmem>>) offsets(%dma_start3A_414 : memref<80xi32, #tpu.memory_space<vmem>>) semaphore(%arg20 : memref<!tpu.dma_semaphore, #tpu.memory_space<semaphore_mem>>)
        %dma_start3A_422 = arith.constant 0 : i32
        %dma_start3A_423 = tpu.memref_slice %arg12[%multiple_of3A_411, %dma_start3A_422] : memref<800x64xf32, #tpu.memory_space<vmem>> -> memref<80x64xf32, #tpu.memory_space<vmem>>
        %dma_start3A_424 = tpu.memref_slice %arg10[%multiple_of3A_411] : memref<800xi32, #tpu.memory_space<vmem>> -> memref<80xi32, #tpu.memory_space<vmem>>
        %dma_start3A_425 = arith.constant 0 : i32
        %dma_start3A_426 = arith.constant 0 : i32
        %dma_start3A_427 = tpu.memref_slice %arg8[%arg0, %dma_start3A_425, %dma_start3A_426] : memref<2x10000x64xf32, #tpu.memory_space<hbm>> -> memref<1x10000x64xf32, #tpu.memory_space<hbm>>
        %dma_start3A_428 = tpu.memref_squeeze %dma_start3A_427 : memref<1x10000x64xf32, #tpu.memory_space<hbm>> -> memref<10000x64xf32, #tpu.memory_space<hbm>>
        %dma_start3A_429 = arith.constant 0 : i32
        %dma_start3A_430 = arith.constant 0 : i32
        %dma_start3A_431 = tpu.memref_slice %dma_start3A_428[%dma_start3A_429, %dma_start3A_430] : memref<10000x64xf32, #tpu.memory_space<hbm>> -> memref<10000x64xf32, #tpu.memory_space<hbm>>
        tpu.enqueue_indirect_dma source(%dma_start3A_431 : memref<10000x64xf32, #tpu.memory_space<hbm>>) target(%dma_start3A_423 : memref<80x64xf32, #tpu.memory_space<vmem>>) offsets(%dma_start3A_424 : memref<80xi32, #tpu.memory_space<vmem>>) semaphore(%arg20 : memref<!tpu.dma_semaphore, #tpu.memory_space<semaphore_mem>>)
        %mul3A_432 = arith.constant 400 : i32
        %mul3A_433 = arith.muli %sub3A_212, %mul3A_432 : i32
        %add3A_434 = arith.constant 160 : i32
        %add3A_435 = arith.addi %mul3A_433, %add3A_434 : i32
        %multiple_of3A_436 = tpu.assume_multiple %add3A_435, 8 : i32
        %dma_start3A_437 = arith.constant 0 : i32
        %dma_start3A_438 = tpu.memref_slice %arg11[%multiple_of3A_436, %dma_start3A_437] : memref<800x64xf32, #tpu.memory_space<vmem>> -> memref<80x64xf32, #tpu.memory_space<vmem>>
        %dma_start3A_439 = tpu.memref_slice %arg9[%multiple_of3A_436] : memref<800xi32, #tpu.memory_space<vmem>> -> memref<80xi32, #tpu.memory_space<vmem>>
        %dma_start3A_440 = arith.constant 0 : i32
        %dma_start3A_441 = arith.constant 0 : i32
        %dma_start3A_442 = tpu.memref_slice %arg8[%arg0, %dma_start3A_440, %dma_start3A_441] : memref<2x10000x64xf32, #tpu.memory_space<hbm>> -> memref<1x10000x64xf32, #tpu.memory_space<hbm>>
        %dma_start3A_443 = tpu.memref_squeeze %dma_start3A_442 : memref<1x10000x64xf32, #tpu.memory_space<hbm>> -> memref<10000x64xf32, #tpu.memory_space<hbm>>
        %dma_start3A_444 = arith.constant 0 : i32
        %dma_start3A_445 = arith.constant 0 : i32
        %dma_start3A_446 = tpu.memref_slice %dma_start3A_443[%dma_start3A_444, %dma_start3A_445] : memref<10000x64xf32, #tpu.memory_space<hbm>> -> memref<10000x64xf32, #tpu.memory_space<hbm>>
        tpu.enqueue_indirect_dma source(%dma_start3A_446 : memref<10000x64xf32, #tpu.memory_space<hbm>>) target(%dma_start3A_438 : memref<80x64xf32, #tpu.memory_space<vmem>>) offsets(%dma_start3A_439 : memref<80xi32, #tpu.memory_space<vmem>>) semaphore(%arg20 : memref<!tpu.dma_semaphore, #tpu.memory_space<semaphore_mem>>)
        %dma_start3A_447 = arith.constant 0 : i32
        %dma_start3A_448 = tpu.memref_slice %arg12[%multiple_of3A_436, %dma_start3A_447] : memref<800x64xf32, #tpu.memory_space<vmem>> -> memref<80x64xf32, #tpu.memory_space<vmem>>
        %dma_start3A_449 = tpu.memref_slice %arg10[%multiple_of3A_436] : memref<800xi32, #tpu.memory_space<vmem>> -> memref<80xi32, #tpu.memory_space<vmem>>
        %dma_start3A_450 = arith.constant 0 : i32
        %dma_start3A_451 = arith.constant 0 : i32
        %dma_start3A_452 = tpu.memref_slice %arg8[%arg0, %dma_start3A_450, %dma_start3A_451] : memref<2x10000x64xf32, #tpu.memory_space<hbm>> -> memref<1x10000x64xf32, #tpu.memory_space<hbm>>
        %dma_start3A_453 = tpu.memref_squeeze %dma_start3A_452 : memref<1x10000x64xf32, #tpu.memory_space<hbm>> -> memref<10000x64xf32, #tpu.memory_space<hbm>>
        %dma_start3A_454 = arith.constant 0 : i32
        %dma_start3A_455 = arith.constant 0 : i32
        %dma_start3A_456 = tpu.memref_slice %dma_start3A_453[%dma_start3A_454, %dma_start3A_455] : memref<10000x64xf32, #tpu.memory_space<hbm>> -> memref<10000x64xf32, #tpu.memory_space<hbm>>
        tpu.enqueue_indirect_dma source(%dma_start3A_456 : memref<10000x64xf32, #tpu.memory_space<hbm>>) target(%dma_start3A_448 : memref<80x64xf32, #tpu.memory_space<vmem>>) offsets(%dma_start3A_449 : memref<80xi32, #tpu.memory_space<vmem>>) semaphore(%arg20 : memref<!tpu.dma_semaphore, #tpu.memory_space<semaphore_mem>>)
        %mul3A_457 = arith.constant 400 : i32
        %mul3A_458 = arith.muli %sub3A_212, %mul3A_457 : i32
        %add3A_459 = arith.constant 240 : i32
        %add3A_460 = arith.addi %mul3A_458, %add3A_459 : i32
        %multiple_of3A_461 = tpu.assume_multiple %add3A_460, 8 : i32
        %dma_start3A_462 = arith.constant 0 : i32
        %dma_start3A_463 = tpu.memref_slice %arg11[%multiple_of3A_461, %dma_start3A_462] : memref<800x64xf32, #tpu.memory_space<vmem>> -> memref<80x64xf32, #tpu.memory_space<vmem>>
        %dma_start3A_464 = tpu.memref_slice %arg9[%multiple_of3A_461] : memref<800xi32, #tpu.memory_space<vmem>> -> memref<80xi32, #tpu.memory_space<vmem>>
        %dma_start3A_465 = arith.constant 0 : i32
        %dma_start3A_466 = arith.constant 0 : i32
        %dma_start3A_467 = tpu.memref_slice %arg8[%arg0, %dma_start3A_465, %dma_start3A_466] : memref<2x10000x64xf32, #tpu.memory_space<hbm>> -> memref<1x10000x64xf32, #tpu.memory_space<hbm>>
        %dma_start3A_468 = tpu.memref_squeeze %dma_start3A_467 : memref<1x10000x64xf32, #tpu.memory_space<hbm>> -> memref<10000x64xf32, #tpu.memory_space<hbm>>
        %dma_start3A_469 = arith.constant 0 : i32
        %dma_start3A_470 = arith.constant 0 : i32
        %dma_start3A_471 = tpu.memref_slice %dma_start3A_468[%dma_start3A_469, %dma_start3A_470] : memref<10000x64xf32, #tpu.memory_space<hbm>> -> memref<10000x64xf32, #tpu.memory_space<hbm>>
        tpu.enqueue_indirect_dma source(%dma_start3A_471 : memref<10000x64xf32, #tpu.memory_space<hbm>>) target(%dma_start3A_463 : memref<80x64xf32, #tpu.memory_space<vmem>>) offsets(%dma_start3A_464 : memref<80xi32, #tpu.memory_space<vmem>>) semaphore(%arg20 : memref<!tpu.dma_semaphore, #tpu.memory_space<semaphore_mem>>)
        %dma_start3A_472 = arith.constant 0 : i32
        %dma_start3A_473 = tpu.memref_slice %arg12[%multiple_of3A_461, %dma_start3A_472] : memref<800x64xf32, #tpu.memory_space<vmem>> -> memref<80x64xf32, #tpu.memory_space<vmem>>
        %dma_start3A_474 = tpu.memref_slice %arg10[%multiple_of3A_461] : memref<800xi32, #tpu.memory_space<vmem>> -> memref<80xi32, #tpu.memory_space<vmem>>
        %dma_start3A_475 = arith.constant 0 : i32
        %dma_start3A_476 = arith.constant 0 : i32
        %dma_start3A_477 = tpu.memref_slice %arg8[%arg0, %dma_start3A_475, %dma_start3A_476] : memref<2x10000x64xf32, #tpu.memory_space<hbm>> -> memref<1x10000x64xf32, #tpu.memory_space<hbm>>
        %dma_start3A_478 = tpu.memref_squeeze %dma_start3A_477 : memref<1x10000x64xf32, #tpu.memory_space<hbm>> -> memref<10000x64xf32, #tpu.memory_space<hbm>>
        %dma_start3A_479 = arith.constant 0 : i32
        %dma_start3A_480 = arith.constant 0 : i32
        %dma_start3A_481 = tpu.memref_slice %dma_start3A_478[%dma_start3A_479, %dma_start3A_480] : memref<10000x64xf32, #tpu.memory_space<hbm>> -> memref<10000x64xf32, #tpu.memory_space<hbm>>
        tpu.enqueue_indirect_dma source(%dma_start3A_481 : memref<10000x64xf32, #tpu.memory_space<hbm>>) target(%dma_start3A_473 : memref<80x64xf32, #tpu.memory_space<vmem>>) offsets(%dma_start3A_474 : memref<80xi32, #tpu.memory_space<vmem>>) semaphore(%arg20 : memref<!tpu.dma_semaphore, #tpu.memory_space<semaphore_mem>>)
        %mul3A_482 = arith.constant 400 : i32
        %mul3A_483 = arith.muli %sub3A_212, %mul3A_482 : i32
        %add3A_484 = arith.constant 320 : i32
        %add3A_485 = arith.addi %mul3A_483, %add3A_484 : i32
        %multiple_of3A_486 = tpu.assume_multiple %add3A_485, 8 : i32
        %dma_start3A_487 = arith.constant 0 : i32
        %dma_start3A_488 = tpu.memref_slice %arg11[%multiple_of3A_486, %dma_start3A_487] : memref<800x64xf32, #tpu.memory_space<vmem>> -> memref<80x64xf32, #tpu.memory_space<vmem>>
        %dma_start3A_489 = tpu.memref_slice %arg9[%multiple_of3A_486] : memref<800xi32, #tpu.memory_space<vmem>> -> memref<80xi32, #tpu.memory_space<vmem>>
        %dma_start3A_490 = arith.constant 0 : i32
        %dma_start3A_491 = arith.constant 0 : i32
        %dma_start3A_492 = tpu.memref_slice %arg8[%arg0, %dma_start3A_490, %dma_start3A_491] : memref<2x10000x64xf32, #tpu.memory_space<hbm>> -> memref<1x10000x64xf32, #tpu.memory_space<hbm>>
        %dma_start3A_493 = tpu.memref_squeeze %dma_start3A_492 : memref<1x10000x64xf32, #tpu.memory_space<hbm>> -> memref<10000x64xf32, #tpu.memory_space<hbm>>
        %dma_start3A_494 = arith.constant 0 : i32
        %dma_start3A_495 = arith.constant 0 : i32
        %dma_start3A_496 = tpu.memref_slice %dma_start3A_493[%dma_start3A_494, %dma_start3A_495] : memref<10000x64xf32, #tpu.memory_space<hbm>> -> memref<10000x64xf32, #tpu.memory_space<hbm>>
        tpu.enqueue_indirect_dma source(%dma_start3A_496 : memref<10000x64xf32, #tpu.memory_space<hbm>>) target(%dma_start3A_488 : memref<80x64xf32, #tpu.memory_space<vmem>>) offsets(%dma_start3A_489 : memref<80xi32, #tpu.memory_space<vmem>>) semaphore(%arg20 : memref<!tpu.dma_semaphore, #tpu.memory_space<semaphore_mem>>)
        %dma_start3A_497 = arith.constant 0 : i32
        %dma_start3A_498 = tpu.memref_slice %arg12[%multiple_of3A_486, %dma_start3A_497] : memref<800x64xf32, #tpu.memory_space<vmem>> -> memref<80x64xf32, #tpu.memory_space<vmem>>
        %dma_start3A_499 = tpu.memref_slice %arg10[%multiple_of3A_486] : memref<800xi32, #tpu.memory_space<vmem>> -> memref<80xi32, #tpu.memory_space<vmem>>
        %dma_start3A_500 = arith.constant 0 : i32
        %dma_start3A_501 = arith.constant 0 : i32
        %dma_start3A_502 = tpu.memref_slice %arg8[%arg0, %dma_start3A_500, %dma_start3A_501] : memref<2x10000x64xf32, #tpu.memory_space<hbm>> -> memref<1x10000x64xf32, #tpu.memory_space<hbm>>
        %dma_start3A_503 = tpu.memref_squeeze %dma_start3A_502 : memref<1x10000x64xf32, #tpu.memory_space<hbm>> -> memref<10000x64xf32, #tpu.memory_space<hbm>>
        %dma_start3A_504 = arith.constant 0 : i32
        %dma_start3A_505 = arith.constant 0 : i32
        %dma_start3A_506 = tpu.memref_slice %dma_start3A_503[%dma_start3A_504, %dma_start3A_505] : memref<10000x64xf32, #tpu.memory_space<hbm>> -> memref<10000x64xf32, #tpu.memory_space<hbm>>
        tpu.enqueue_indirect_dma source(%dma_start3A_506 : memref<10000x64xf32, #tpu.memory_space<hbm>>) target(%dma_start3A_498 : memref<80x64xf32, #tpu.memory_space<vmem>>) offsets(%dma_start3A_499 : memref<80xi32, #tpu.memory_space<vmem>>) semaphore(%arg20 : memref<!tpu.dma_semaphore, #tpu.memory_space<semaphore_mem>>)
      } else {
      }
      %mul3A_342 = arith.constant 400 : i32
      %mul3A_343 = arith.muli %rem3A_211, %mul3A_342 : i32
      %multiple_of3A_344 = tpu.assume_multiple %mul3A_343, 8 : i32
      %parallel_loop3A = arith.constant 0 : i32
      %parallel_loop3A_345 = arith.constant 400 : i32
      %parallel_loop3A_346 = arith.constant 1 : i32
      %parallel_loop3A_347 = scf.for %parallel_loop3A_355 = %parallel_loop3A to %parallel_loop3A_345 step %parallel_loop3A_346 iter_args(%parallel_loop3A_356 = %scan3A_210) -> (vector<16xf32>)  : i32 {
        %parallel_loop3A_357 = arith.constant 16 : i32
        %parallel_loop3A_358 = arith.remsi %parallel_loop3A_355, %parallel_loop3A_357 : i32
        %parallel_loop3A_359 = arith.addi %multiple_of3A_344, %parallel_loop3A_355 : i32
        %parallel_loop3A_360 = arith.subi %parallel_loop3A_359, %parallel_loop3A_358 : i32
        %parallel_loop3A_361 = tpu.assume_multiple %parallel_loop3A_360, 8 : i32
        %parallel_loop3A_362 = arith.addi %multiple_of3A_344, %parallel_loop3A_355 : i32
        %parallel_loop3A_363 = arith.index_cast %parallel_loop3A_362 : i32 to index
        %parallel_loop3A_364 = arith.constant 0 : index
        %parallel_loop3A_365 = tpu.vector_load %arg11[%parallel_loop3A_363, %parallel_loop3A_364] {strides = array<i32>} : memref<800x64xf32, #tpu.memory_space<vmem>>, vector<16xf32>,
        %parallel_loop3A_366 = vector.bitcast %parallel_loop3A_365 : vector<16xf32> to vector<32xbf16>
        %parallel_loop3A_367 = arith.index_cast %parallel_loop3A_362 : i32 to index
        %parallel_loop3A_368 = arith.constant 0 : index
        %parallel_loop3A_369 = tpu.vector_load %arg12[%parallel_loop3A_367, %parallel_loop3A_368] {strides = array<i32>} : memref<800x64xf32, #tpu.memory_space<vmem>>, vector<16xf32>,
        %parallel_loop3A_370 = vector.bitcast %parallel_loop3A_369 : vector<16xf32> to vector<32xbf16>
        %parallel_loop3A_371 = arith.mulf %parallel_loop3A_366, %parallel_loop3A_370 : vector<32xbf16>
        %parallel_loop3A_372 = arith.index_cast %parallel_loop3A_362 : i32 to index
        %parallel_loop3A_373 = arith.constant 16 : index
        %parallel_loop3A_374 = tpu.vector_load %arg11[%parallel_loop3A_372, %parallel_loop3A_373] {strides = array<i32>} : memref<800x64xf32, #tpu.memory_space<vmem>>, vector<16xf32>,
        %parallel_loop3A_375 = vector.bitcast %parallel_loop3A_374 : vector<16xf32> to vector<32xbf16>
        %parallel_loop3A_376 = arith.index_cast %parallel_loop3A_362 : i32 to index
        %parallel_loop3A_377 = arith.constant 16 : index
        %parallel_loop3A_378 = tpu.vector_load %arg12[%parallel_loop3A_376, %parallel_loop3A_377] {strides = array<i32>} : memref<800x64xf32, #tpu.memory_space<vmem>>, vector<16xf32>,
        %parallel_loop3A_379 = vector.bitcast %parallel_loop3A_378 : vector<16xf32> to vector<32xbf16>
        %parallel_loop3A_380 = arith.mulf %parallel_loop3A_375, %parallel_loop3A_379 : vector<32xbf16>
        %parallel_loop3A_381 = arith.index_cast %parallel_loop3A_362 : i32 to index
        %parallel_loop3A_382 = arith.constant 32 : index
        %parallel_loop3A_383 = tpu.vector_load %arg11[%parallel_loop3A_381, %parallel_loop3A_382] {strides = array<i32>} : memref<800x64xf32, #tpu.memory_space<vmem>>, vector<16xf32>,
        %parallel_loop3A_384 = vector.bitcast %parallel_loop3A_383 : vector<16xf32> to vector<32xbf16>
        %parallel_loop3A_385 = arith.index_cast %parallel_loop3A_362 : i32 to index
        %parallel_loop3A_386 = arith.constant 32 : index
        %parallel_loop3A_387 = tpu.vector_load %arg12[%parallel_loop3A_385, %parallel_loop3A_386] {strides = array<i32>} : memref<800x64xf32, #tpu.memory_space<vmem>>, vector<16xf32>,
        %parallel_loop3A_388 = vector.bitcast %parallel_loop3A_387 : vector<16xf32> to vector<32xbf16>
        %parallel_loop3A_389 = arith.mulf %parallel_loop3A_384, %parallel_loop3A_388 : vector<32xbf16>
        %parallel_loop3A_390 = arith.index_cast %parallel_loop3A_362 : i32 to index
        %parallel_loop3A_391 = arith.constant 48 : index
        %parallel_loop3A_392 = tpu.vector_load %arg11[%parallel_loop3A_390, %parallel_loop3A_391] {strides = array<i32>} : memref<800x64xf32, #tpu.memory_space<vmem>>, vector<16xf32>,
        %parallel_loop3A_393 = vector.bitcast %parallel_loop3A_392 : vector<16xf32> to vector<32xbf16>
        %parallel_loop3A_394 = arith.index_cast %parallel_loop3A_362 : i32 to index
        %parallel_loop3A_395 = arith.constant 48 : index
        %parallel_loop3A_396 = tpu.vector_load %arg12[%parallel_loop3A_394, %parallel_loop3A_395] {strides = array<i32>} : memref<800x64xf32, #tpu.memory_space<vmem>>, vector<16xf32>,
        %parallel_loop3A_397 = vector.bitcast %parallel_loop3A_396 : vector<16xf32> to vector<32xbf16>
        %parallel_loop3A_398 = arith.mulf %parallel_loop3A_393, %parallel_loop3A_397 : vector<32xbf16>
        %parallel_loop3A_399 = arith.addf %parallel_loop3A_371, %parallel_loop3A_380 : vector<32xbf16>
        %parallel_loop3A_400 = arith.addf %parallel_loop3A_389, %parallel_loop3A_398 : vector<32xbf16>
        %parallel_loop3A_401 = arith.addf %parallel_loop3A_399, %parallel_loop3A_400 : vector<32xbf16>
        %parallel_loop3A_402 = tpu.unpack_subelements %parallel_loop3A_401, 0 {pack_format = #tpu.pack_format<interleaved>} : vector<32xbf16> -> vector<16xf32>
        %parallel_loop3A_403 = tpu.unpack_subelements %parallel_loop3A_401, 1 {pack_format = #tpu.pack_format<interleaved>} : vector<32xbf16> -> vector<16xf32>
        %parallel_loop3A_404 = arith.addf %parallel_loop3A_402, %parallel_loop3A_403 : vector<16xf32>
        %parallel_loop3A_405 = vector.shape_cast %xor3A_8 : vector<16xi32> to vector<16x1xi32>
        %parallel_loop3A_406 = vector.shape_cast %parallel_loop3A_405 : vector<16x1xi32> to vector<16xi32>
        %parallel_loop3A_407 = tpu.dynamic_gather %parallel_loop3A_404[%parallel_loop3A_406] in [0] : vector<16xf32>, vector<16xi32> -> vector<16xf32>
        %parallel_loop3A_408 = arith.addf %parallel_loop3A_404, %parallel_loop3A_407 : vector<16xf32>
        %parallel_loop3A_409 = vector.shape_cast %xor3A_11 : vector<16xi32> to vector<16x1xi32>
        %parallel_loop3A_410 = vector.shape_cast %parallel_loop3A_409 : vector<16x1xi32> to vector<16xi32>
        %parallel_loop3A_411 = tpu.dynamic_gather %parallel_loop3A_408[%parallel_loop3A_410] in [0] : vector<16xf32>, vector<16xi32> -> vector<16xf32>
        %parallel_loop3A_412 = arith.addf %parallel_loop3A_408, %parallel_loop3A_411 : vector<16xf32>
        %parallel_loop3A_413 = vector.shape_cast %xor3A_14 : vector<16xi32> to vector<16x1xi32>
        %parallel_loop3A_414 = vector.shape_cast %parallel_loop3A_413 : vector<16x1xi32> to vector<16xi32>
        %parallel_loop3A_415 = tpu.dynamic_gather %parallel_loop3A_412[%parallel_loop3A_414] in [0] : vector<16xf32>, vector<16xi32> -> vector<16xf32>
        %parallel_loop3A_416 = arith.addf %parallel_loop3A_412, %parallel_loop3A_415 : vector<16xf32>
        %parallel_loop3A_417 = vector.shape_cast %xor3A_17 : vector<16xi32> to vector<16x1xi32>
        %parallel_loop3A_418 = vector.shape_cast %parallel_loop3A_417 : vector<16x1xi32> to vector<16xi32>
        %parallel_loop3A_419 = tpu.dynamic_gather %parallel_loop3A_416[%parallel_loop3A_418] in [0] : vector<16xf32>, vector<16xi32> -> vector<16xf32>
        %parallel_loop3A_420 = arith.addf %parallel_loop3A_416, %parallel_loop3A_419 : vector<16xf32>
        %parallel_loop3A_421 = arith.constant 0.000000e+00 : f32
        %parallel_loop3A_422 = vector.broadcast %parallel_loop3A_421 : f32 to vector<16xf32>
        %parallel_loop3A_423 = arith.subf %parallel_loop3A_422, %parallel_loop3A_420 : vector<16xf32>
        %parallel_loop3A_424 = math.exp %parallel_loop3A_423 : vector<16xf32>
        %parallel_loop3A_425 = arith.constant 1.000000e+00 : f32
        %parallel_loop3A_426 = vector.broadcast %parallel_loop3A_425 : f32 to vector<16xf32>
        %parallel_loop3A_427 = arith.addf %parallel_loop3A_426, %parallel_loop3A_424 : vector<16xf32>
        %parallel_loop3A_428 = arith.constant 1.000000e+00 : f32
        %parallel_loop3A_429 = vector.broadcast %parallel_loop3A_428 : f32 to vector<16xf32>
        %parallel_loop3A_430 = arith.divf %parallel_loop3A_429, %parallel_loop3A_427 : vector<16xf32>
        %parallel_loop3A_431 = arith.index_cast %parallel_loop3A_361 : i32 to index
        %parallel_loop3A_432 = tpu.vector_load %arg13[%parallel_loop3A_431] {strides = array<i32>} : memref<800xf32, #tpu.memory_space<vmem>>, vector<16xf32>,
        %parallel_loop3A_433 = arith.subf %parallel_loop3A_430, %parallel_loop3A_432 : vector<16xf32>
        %parallel_loop3A_434 = arith.index_cast %parallel_loop3A_361 : i32 to index
        %parallel_loop3A_435 = tpu.vector_load %arg14[%parallel_loop3A_434] {strides = array<i32>} : memref<800xf32, #tpu.memory_space<vmem>>, vector<16xf32>,
        %parallel_loop3A_436 = arith.mulf %parallel_loop3A_433, %parallel_loop3A_433 : vector<16xf32>
        %parallel_loop3A_437 = arith.subf %parallel_loop3A_436, %get3A_6 : vector<16xf32>
        %parallel_loop3A_438 = arith.mulf %parallel_loop3A_435, %parallel_loop3A_437 : vector<16xf32>
        %parallel_loop3A_439 = vector.broadcast %parallel_loop3A_358 : i32 to vector<16xi32>
        %parallel_loop3A_440 = arith.cmpi eq, %iota3A, %parallel_loop3A_439 : vector<16xi32>
        %parallel_loop3A_441 = arith.constant 0.000000e+00 : f32
        %parallel_loop3A_442 = vector.broadcast %parallel_loop3A_441 : f32 to vector<16xf32>
        %parallel_loop3A_443 = arith.select %parallel_loop3A_440, %parallel_loop3A_438, %parallel_loop3A_442 : vector<16xi1>, vector<16xf32>
        %parallel_loop3A_444 = arith.addf %parallel_loop3A_356, %parallel_loop3A_443 : vector<16xf32>
        scf.yield %parallel_loop3A_444 : vector<16xf32>
      } {sc.loop_unroll_factor = 4 : i64, sc.parallel_access}
      %add3A_348 = arith.constant 2 : i32
      %add3A_349 = arith.addi %scan3A_209, %add3A_348 : i32
      %lt3A_350 = arith.constant 25 : i32
      %lt3A_351 = arith.cmpi slt, %add3A_349, %lt3A_350 : i32
      %convert_element_type3A_352 = arith.extui %lt3A_351 : i1 to i32
      %cond3A_353 = arith.constant 0 : i32
      %cond3A_354 = arith.cmpi ne, %convert_element_type3A_352, %cond3A_353 : i32
      scf.if %cond3A_354 {
        %add3A_355 = arith.constant 2 : i32
        %add3A_356 = arith.addi %scan3A_209, %add3A_355 : i32
        %mul3A_357 = arith.constant 10000 : i32
        %mul3A_358 = arith.muli %add3A, %mul3A_357 : i32
        %mul3A_359 = arith.constant 400 : i32
        %mul3A_360 = arith.muli %add3A_356, %mul3A_359 : i32
        %add3A_361 = arith.addi %mul3A_358, %mul3A_360 : i32
        %multiple_of3A_362 = tpu.assume_multiple %add3A_361, 8 : i32
        %mul3A_363 = arith.constant 400 : i32
        %mul3A_364 = arith.muli %rem3A_211, %mul3A_363 : i32
        %multiple_of3A_365 = tpu.assume_multiple %mul3A_364, 8 : i32
        %dma_start3A_366 = tpu.memref_slice %arg9[%multiple_of3A_365] : memref<800xi32, #tpu.memory_space<vmem>> -> memref<400xi32, #tpu.memory_space<vmem>>
        %dma_start3A_367 = tpu.memref_slice %arg3[%multiple_of3A_362] : memref<640000xi32, #tpu.memory_space<hbm>> -> memref<400xi32, #tpu.memory_space<hbm>>
        %dma_start3A_368 = tpu.memref_slice %arg9[%multiple_of3A_365] : memref<800xi32, #tpu.memory_space<vmem>> -> memref<400xi32, #tpu.memory_space<vmem>>
        %dma_start3A_369 = tpu.memref_slice %arg3[%multiple_of3A_362] : memref<640000xi32, #tpu.memory_space<hbm>> -> memref<400xi32, #tpu.memory_space<hbm>>
        tpu.enqueue_dma source(%dma_start3A_369 : memref<400xi32, #tpu.memory_space<hbm>>) target(%dma_start3A_368 : memref<400xi32, #tpu.memory_space<vmem>>) target_semaphore(%arg19 : memref<!tpu.dma_semaphore, #tpu.memory_space<semaphore_mem>>)
        %add3A_370 = arith.constant 320000 : i32
        %add3A_371 = arith.addi %add3A_370, %multiple_of3A_362 : i32
        %dma_start3A_372 = tpu.memref_slice %arg10[%multiple_of3A_365] : memref<800xi32, #tpu.memory_space<vmem>> -> memref<400xi32, #tpu.memory_space<vmem>>
        %dma_start3A_373 = tpu.memref_slice %arg3[%add3A_371] : memref<640000xi32, #tpu.memory_space<hbm>> -> memref<400xi32, #tpu.memory_space<hbm>>
        %dma_start3A_374 = tpu.memref_slice %arg10[%multiple_of3A_365] : memref<800xi32, #tpu.memory_space<vmem>> -> memref<400xi32, #tpu.memory_space<vmem>>
        %dma_start3A_375 = tpu.memref_slice %arg3[%add3A_371] : memref<640000xi32, #tpu.memory_space<hbm>> -> memref<400xi32, #tpu.memory_space<hbm>>
        tpu.enqueue_dma source(%dma_start3A_375 : memref<400xi32, #tpu.memory_space<hbm>>) target(%dma_start3A_374 : memref<400xi32, #tpu.memory_space<vmem>>) target_semaphore(%arg19 : memref<!tpu.dma_semaphore, #tpu.memory_space<semaphore_mem>>)
        %dma_start3A_376 = tpu.memref_slice %arg13[%multiple_of3A_365] : memref<800xf32, #tpu.memory_space<vmem>> -> memref<400xf32, #tpu.memory_space<vmem>>
        %dma_start3A_377 = tpu.memref_slice %arg4[%multiple_of3A_362] : memref<320000xf32, #tpu.memory_space<hbm>> -> memref<400xf32, #tpu.memory_space<hbm>>
        %dma_start3A_378 = tpu.memref_slice %arg13[%multiple_of3A_365] : memref<800xf32, #tpu.memory_space<vmem>> -> memref<400xf32, #tpu.memory_space<vmem>>
        %dma_start3A_379 = tpu.memref_slice %arg4[%multiple_of3A_362] : memref<320000xf32, #tpu.memory_space<hbm>> -> memref<400xf32, #tpu.memory_space<hbm>>
        tpu.enqueue_dma source(%dma_start3A_379 : memref<400xf32, #tpu.memory_space<hbm>>) target(%dma_start3A_378 : memref<400xf32, #tpu.memory_space<vmem>>) target_semaphore(%arg19 : memref<!tpu.dma_semaphore, #tpu.memory_space<semaphore_mem>>)
        %dma_start3A_380 = tpu.memref_slice %arg14[%multiple_of3A_365] : memref<800xf32, #tpu.memory_space<vmem>> -> memref<400xf32, #tpu.memory_space<vmem>>
        %dma_start3A_381 = tpu.memref_slice %arg5[%multiple_of3A_362] : memref<320000xf32, #tpu.memory_space<hbm>> -> memref<400xf32, #tpu.memory_space<hbm>>
        %dma_start3A_382 = tpu.memref_slice %arg14[%multiple_of3A_365] : memref<800xf32, #tpu.memory_space<vmem>> -> memref<400xf32, #tpu.memory_space<vmem>>
        %dma_start3A_383 = tpu.memref_slice %arg5[%multiple_of3A_362] : memref<320000xf32, #tpu.memory_space<hbm>> -> memref<400xf32, #tpu.memory_space<hbm>>
        tpu.enqueue_dma source(%dma_start3A_383 : memref<400xf32, #tpu.memory_space<hbm>>) target(%dma_start3A_382 : memref<400xf32, #tpu.memory_space<vmem>>) target_semaphore(%arg19 : memref<!tpu.dma_semaphore, #tpu.memory_space<semaphore_mem>>)
      } else {
      }
      scf.yield %parallel_loop3A_347 : vector<16xf32>
    }
    %scan3A_207 = arith.constant 25 : i32
    %swap3A = arith.constant 0 : index
    %swap3A_208 = tpu.vector_load %arg16[%swap3A] {strides = array<i32>} : memref<16xf32, #tpu.memory_space<vmem>>, vector<16xf32>,
    tpu.vector_store %arg16[%swap3A], %scan3A_206 {strides = array<i32>} : memref<16xf32, #tpu.memory_space<vmem>>, vector<16xf32>,
    "tpu.region"() ({
      %run_scoped3A = tpu.sem_alloc : memref<!tpu.dma_semaphore, #tpu.memory_space<semaphore_mem>>
      %dma_start3A_209 = arith.constant 0 : i32
      %dma_start3A_210 = tpu.memref_slice %arg7[%add3A, %dma_start3A_209] : memref<32x16xf32, #tpu.memory_space<hbm>> -> memref<1x16xf32, #tpu.memory_space<hbm>>
      %dma_start3A_211 = tpu.memref_squeeze %dma_start3A_210 : memref<1x16xf32, #tpu.memory_space<hbm>> -> memref<16xf32, #tpu.memory_space<hbm>>
      %dma_start3A_212 = arith.constant 0 : i32
      %dma_start3A_213 = tpu.memref_slice %arg7[%add3A, %dma_start3A_212] : memref<32x16xf32, #tpu.memory_space<hbm>> -> memref<1x16xf32, #tpu.memory_space<hbm>>
      %dma_start3A_214 = tpu.memref_squeeze %dma_start3A_213 : memref<1x16xf32, #tpu.memory_space<hbm>> -> memref<16xf32, #tpu.memory_space<hbm>>
      tpu.enqueue_dma source(%arg16 : memref<16xf32, #tpu.memory_space<vmem>>) target(%dma_start3A_214 : memref<16xf32, #tpu.memory_space<hbm>>) target_semaphore(%run_scoped3A : memref<!tpu.dma_semaphore, #tpu.memory_space<semaphore_mem>>)
      %dma_wait3A_215 = arith.constant 0 : i32
      %dma_wait3A_216 = tpu.memref_slice %arg7[%add3A, %dma_wait3A_215] : memref<32x16xf32, #tpu.memory_space<hbm>> -> memref<1x16xf32, #tpu.memory_space<hbm>>
      %dma_wait3A_217 = tpu.memref_squeeze %dma_wait3A_216 : memref<1x16xf32, #tpu.memory_space<hbm>> -> memref<16xf32, #tpu.memory_space<hbm>>
      %dma_wait3A_218 = arith.constant 0 : i32
      %dma_wait3A_219 = tpu.memref_slice %arg7[%add3A, %dma_wait3A_218] : memref<32x16xf32, #tpu.memory_space<hbm>> -> memref<1x16xf32, #tpu.memory_space<hbm>>
      %dma_wait3A_220 = tpu.memref_squeeze %dma_wait3A_219 : memref<1x16xf32, #tpu.memory_space<hbm>> -> memref<16xf32, #tpu.memory_space<hbm>>
      tpu.wait_dma2 semaphore(%run_scoped3A : memref<!tpu.dma_semaphore, #tpu.memory_space<semaphore_mem>>) src(%arg16 : memref<16xf32, #tpu.memory_space<vmem>>) dst(%dma_wait3A_220 : memref<16xf32, #tpu.memory_space<hbm>>)
      tpu.yield
    }) : () -> ()
    return
  }
}

</mosaic_0001>

<sc_bundles>
// kernel: kernel.3.cloned.1.call-start
scs
__scs_entry_jumppad:
0x0: {  	(pc) =	sbr.rel $0x88, $3  }
0x1: {  	(tag) =	ssettag $0x0;
	lr =	simm.s32 $0x1  }
0x2: {  	[smem:$0x3F9C] =	sst lr;
	_ =	strace $0xD0000000  }
0x3: {  	_ = 	snop  }
0x4: {  	_ = 	snop  }
0x5: {  	_ = 	snop  }
0x6: {  	_ = 	snop  }
0x7: {  	_ = 	snop  }
__scs_overlays_trampoline_lowered:
0x8: {  	[smem:$0x3FAB] =	sst s0  }
0x9: {  	[smem:$0x3FAC] =	sst s1  }
0xa: {  	[smem:$0x3FAD] =	sst s2  }
0xb: {  	[smem:$0x3FAE] =	sst s3  }
0xc: {  	[smem:$0x3FAF] =	sst s4  }
0xd: {  	[smem:$0x3FB0] =	sst s5  }
0xe: {  	[smem:$0x3FB1] =	sst s6  }
0xf: {  	[smem:$0x3FB2] =	sst s7  }
0x10: {  	[smem:$0x3FB3] =	sst s8  }
0x11: {  	[smem:$0x3FB4] =	sst s9;
	s0 =	simm.s32 @!p0 $0x0  }
0x12: {  	s1 =	sld [smem:$0x3F9A];
	s0 =	simm.s32 @p0 $0x1  }
0x13: {  	[smem:$0x3FB5] =	sst s0;
	s0 =	simm.s32 @!p1 $0x0  }
0x14: {  	s2 =	sld [smem:$0x3F99];
	s0 =	simm.s32 @p1 $0x1  }
0x15: {  	[smem:$0x3FB6] =	sst s0;
	s0 =	simm.s32 @!p2 $0x0  }
0x16: {  	s3 =	sld [smem:$0x3FDB];
	s0 =	simm.s32 @p2 $0x1  }
0x17: {  	s4 =	simm.s32 $0x1BF5;
	[smem:$0x3FB8] =	sst s0  }
0x18: {  	s0 =	sld [smem:$0x3F9B];
	_ =	swait.ge [sflag:s4], $0x0  }
0x19: {  	s7 =	sld [smem:$0x3F9C]  }
0x1a: {  	s8 =	sadd.s32 $0xFFFFE003, lr  }
0x1b: {  	s9 =	sadd.s32 $0xFFFFFEF7, lr;
	s5 =	simm.s32 $0xFFFFFFFF;
	p2 =	slt.u32 s8, $0xFFFFF086  }
0x1c: {  	p1 =	slt.u32 s9, $0xF7A;
	s5 =	simm.s32 @!p2 $0x0  }
0x1d: {  	s5 =	simm.s32 @p1 $0x1;
	p0 =	seq.s32 s7, s2  }
0x1e: {  	s7 =	smul.u32 @!p0 $0xF7A, s2;
	p2 =	seq.s32 @!p0 s5, $0x0  }
0x1f: {  	s9 =	smul.u32 $0xF7A, s1;
	s8 =	simm.s32 @!p0 $0x1BF5;
	p2 =	por !p2, p0  }
0x20: {  	[sflag:s8] =	ssyncset.s32 @!p0 $0xFFFFF086;
	s6 =	sadd.s32 @!p0 s3, s7;
	s7 =	simm.s32 @!p0 $0x108  }
0x21: {  	s3 =	sadd.s32 s3, s9;
	s6 =	sadd.s32 @!p0 $0x88, s6;
	s7 =	simm.s32 @p2 $0x1082  }
0x22: {  	[simem:s7], [sflag:s8] =	dma.local @!p0 [hbm:s6], $0xF7A  }
0x23: {  	s9 =	sor.u32 $0xD0000000, s2;
	s6 =	simm.s32 $0x108;
	_ =	swait.ge @!p0 [sflag:s8], $0x0  }
0x24: {  	s3 =	sadd.s32 $0x88, s3;
	s6 =	simm.s32 @!p1 $0x1082;
	[sflag:s4] =	ssyncset.s32 $0xFFFFF086  }
0x25: {  	[simem:s6], [sflag:s4] =	dma.local [hbm:s3], $0xF7A  }
0x26: {  	[smem:$0x3F9C] =	sst s1;
	(tag) =	ssettag s2;
	_ =	strace s9  }
0x27: {  	s1 =	sld [smem:$0x3FAC]  }
0x28: {  	s2 =	sld [smem:$0x3FAD]  }
0x29: {  	s4 =	sld [smem:$0x3FAF]  }
0x2a: {  	p0 =	seq.s32 s5, $0x0;
	s5 =	sld [smem:$0x3FB0]  }
0x2b: {  	s6 =	sld [smem:$0x3FB1]  }
0x2c: {  	s7 =	sld [smem:$0x3FB2]  }
0x2d: {  	s3 =	simm.s32 $0x108;
	s8 =	sld [smem:$0x3FB3]  }
0x2e: {  	s3 =	simm.s32 @!p0 $0x1082;
	s9 =	sld [smem:$0x3FB4]  }
0x2f: {  	lr =	sadd.s32 s0, s3;
	s0 =	sld [smem:$0x3FAB]  }
0x30: {  	s3 =	sld [smem:$0x3FAE]  }
0x31: {  	[smem:$0x3FB7] =	sst s10  }
0x32: {  	s10 =	sld [smem:$0x3FB5];
	_ =	sdelay $0x3  }
0x33: {  	p0 =	seq.s32 s10, $0x1;
	s10 =	sld [smem:$0x3FB7];
	_ =	sdelay $0x3  }
0x34: {  	[smem:$0x3FB7] =	sst s10  }
0x35: {  	s10 =	sld [smem:$0x3FB6];
	_ =	sdelay $0x3  }
0x36: {  	p1 =	seq.s32 s10, $0x1;
	s10 =	sld [smem:$0x3FB7];
	_ =	sdelay $0x3  }
0x37: {  	[smem:$0x3FB7] =	sst s10  }
0x38: {  	s10 =	sld [smem:$0x3FB8]  }
0x39: {  	_ = 	snop;
	(pc) =	sbr.ind lr, $3  }
0x3a: {  	_ = 	snop  }
0x3b: {  	_ = 	snop  }
0x3c: {  	p2 =	seq.s32 s10, $0x1;
	s10 =	sld [smem:$0x3FB7]  }
0x3d: {  	_ =	shalt  }
0x3e: {  	_ =	shalt  }
0x3f: {  	_ =	shalt  }
0x40: {  	_ =	shalt  }
0x41: {  	_ =	shalt  }
0x42: {  	_ =	shalt  }
0x43: {  	_ =	shalt  }
0x44: {  	_ =	shalt  }
0x45: {  	_ =	shalt  }
0x46: {  	_ =	shalt  }
0x47: {  	_ =	shalt  }
0x48: {  	_ =	shalt  }
0x49: {  	_ =	shalt  }
0x4a: {  	_ =	shalt  }
0x4b: {  	_ =	shalt  }
0x4c: {  	_ =	shalt  }
0x4d: {  	_ =	shalt  }
0x4e: {  	_ =	shalt  }
0x4f: {  	_ =	shalt  }
0x50: {  	_ =	shalt  }
0x51: {  	_ =	shalt  }
0x52: {  	_ =	shalt  }
0x53: {  	_ =	shalt  }
0x54: {  	_ =	shalt  }
0x55: {  	_ =	shalt  }
0x56: {  	_ =	shalt  }
0x57: {  	_ =	shalt  }
0x58: {  	_ =	shalt  }
0x59: {  	_ =	shalt  }
0x5a: {  	_ =	shalt  }
0x5b: {  	_ =	shalt  }
0x5c: {  	_ =	shalt  }
0x5d: {  	_ =	shalt  }
0x5e: {  	_ =	shalt  }
0x5f: {  	_ =	shalt  }
0x60: {  	_ =	shalt  }
0x61: {  	_ =	shalt  }
0x62: {  	_ =	shalt  }
0x63: {  	_ =	shalt  }
0x64: {  	_ =	shalt  }
0x65: {  	_ =	shalt  }
0x66: {  	_ =	shalt  }
0x67: {  	_ =	shalt  }
0x68: {  	_ =	shalt  }
0x69: {  	_ =	shalt  }
0x6a: {  	_ =	shalt  }
0x6b: {  	_ =	shalt  }
0x6c: {  	_ =	shalt  }
0x6d: {  	_ =	shalt  }
0x6e: {  	_ =	shalt  }
0x6f: {  	_ =	shalt  }
0x70: {  	_ =	shalt  }
0x71: {  	_ =	shalt  }
0x72: {  	_ =	shalt  }
0x73: {  	_ =	shalt  }
0x74: {  	_ =	shalt  }
0x75: {  	_ =	shalt  }
0x76: {  	_ =	shalt  }
0x77: {  	_ =	shalt  }
0x78: {  	_ =	shalt  }
0x79: {  	_ =	shalt  }
0x7a: {  	_ =	shalt  }
0x7b: {  	_ =	shalt  }
0x7c: {  	_ =	shalt  }
0x7d: {  	_ =	shalt  }
0x7e: {  	_ =	shalt  }
0x7f: {  	_ =	shalt  }
0x80: {  	_ =	shalt  }
0x81: {  	_ =	shalt  }
0x82: {  	_ =	shalt  }
0x83: {  	_ =	shalt  }
0x84: {  	_ =	shalt  }
0x85: {  	_ =	shalt  }
0x86: {  	_ =	shalt  }
0x87: {  	_ =	shalt  }
.Lfunc_end0:
.L_simem_size_0:
called_computation_lowered:
.L_overlay_start_0:
0x88: {  	s2 =	sld [smem:$0x3FD9]  }
0x89: {  	s3 =	sld [smem:$0x3FFE];
	_ =	sdelay $0x1  }
0x8a: {  	s1 =	srdreg.scid  }
0x8b: {  	s0 =	sand.u32 $0x1, s1  }
0x8c: {  	s17 =	sshll.u32 s0, $0xA;
	s2 =	sadd.s32 s3, s2  }
0x8d: {  	s2 =	sadd.s32 s2, s17  }
0x8e: {  	[smem:$0x3FC3] =	sst s2  }
0x8f: {  	_ = 	snop  }
0x90: {  	s2 =	sld [smem:$0x3FC9]  }
0x91: {  	s18 =	sld [smem:$0x3FC6]  }
0x92: {  	s4 =	sld [smem:$0x3FC5]  }
0x93: {  	s5 =	sld [smem:$0x3FD0];
	(tm) =	ssettm $0x1  }
0x94: {  	s6 =	sld [smem:$0x3FFB];
	_ =	sdelay $0x3  }
0x95: {  	_ =	strace s6  }
0x96: {  	s6 =	sld [smem:$0x3FFC];
	_ =	sdelay $0x3  }
0x97: {  	_ =	strace s6  }
0x98: {  	s6 =	sld [smem:$0x3FFD];
	_ =	sdelay $0x3  }
0x99: {  	_ =	strace s6  }
0x9a: {  	_ =	strace $0x8FFFFFFF  }
0x9b: {  	s19 =	sld [smem:$0x3FDB];
	_ =	sdelay $0x1  }
0x9c: {  	s7 =	simm.s32 $_scs_section_size  }
0x9d: {  	s8 =	simm.s32 $_size__tile_overlayer_lowered;
	s9 =	simm.s32 $_tile_overlayer_lowered  }
0x9e: {  	s22 =	simm.s32 $0x1BFF;
	s21 =	sshll.u32 s9, $0x1;
	s6 =	sadd.s32 s7, s19  }
0x9f: {  	s10 =	simm.s32 $0x0;
	s20 =	sshll.u32 s8, $0x1;
	s8 =	sadd.s32 s21, s6  }
0xa0: {  	[timem:s10], [sflag:s22] =	dma.local [hbm:s8], s20  }
0xa1: {  	_ =	swait.ge [sflag:s22], s20  }
0xa2: {  	s7 =	ssub.s32 $0x0, s20;
	[sflag:s22] =	ssyncset.done $0x0  }
0xa3: {  	[sflag:s22] =	ssyncadd.s32 s7;
	_ =	sdelay $0x1  }
0xa4: {  	s23 =	simm.s32 $0x1B8B  }
0xa5: {  	_ =	swait.ge [sflag:s23], $0x1  }
0xa6: {  	[sflag:s23] =	ssyncset.done $0x0  }
0xa7: {  	s25 =	simm.s32 $0x1B8E;
	s24 =	sld [smem:$0x3FFE];
	[sflag:s23] =	ssyncadd.s32 $0xFFFFFFFF  }
0xa8: {  	s26 =	simm.s32 $execute0_lowered;
	[smem:$0x3FD2] =	sst s25  }
0xa9: {  	s8 =	sshll.u32 s26, $0x1;
	_ =	strace $0x80000046;
	[dreg:$0x1] =	wrdreg $0xFFFFFFFF  }
0xaa: {  	s28 =	simm.s32 $_size_execute0_lowered;
	s6 =	sadd.s32 s6, s8;
	[dreg:$0x0] =	wrdreg $0x0  }
0xab: {  	s8 =	sshll.u32 s28, $0x1;
	[dreg:$0x2] =	wrdreg s6  }
0xac: {  	[dreg:$0x3] =	wrdreg s8  }
0xad: {  	[dreg:$0x4] =	wrdreg $0xC0  }
0xae: {  	_ =	task [dreg:s10], $0x5FFFF  }
0xaf: {  	[dreg:$0x1] =	wrdreg $0xFFFFFFFF  }
0xb0: {  	[dreg:$0x0] =	wrdreg $0x60  }
0xb1: {  	[dreg:$0x2] =	wrdreg s2  }
0xb2: {  	[dreg:$0x3] =	wrdreg s24  }
0xb3: {  	[dreg:$0x4] =	wrdreg s18  }
0xb4: {  	[dreg:$0x5] =	wrdreg s4  }
0xb5: {  	[dreg:$0x6] =	wrdreg s5  }
0xb6: {  	[dreg:$0x7] =	wrdreg $0x9  }
0xb7: {  	_ =	task.clear_ibuf [dreg:s10], $0x8FFFF;
	_ =	strace $0x90000046  }
0xb8: {  	s29 =	simm.s32 $0x9;
	_ =	strace $0x80000048  }
0xb9: {  	_ =	swait.ge [sflag:s29], $0x1  }
0xba: {  	[sflag:s29] =	ssyncadd.s32 $0xFFFFFFFF  }
0xbb: {  	_ =	strace $0x90000048  }
0xbc: {  	_ =	sfence  }
0xbd: {  	s30 =	sld [smem:$0x0];
	_ =	sdelay $0x2  }
0xbe: {  	s31 =	sshll.u32 s1, $0xD;
	s1 =	sshrl.u32 s1, $0x2  }
0xbf: {  	s3 =	sand.u32 $0x4000, s31;
	s1 =	sadd.s32 s1, s30  }
0xc0: {  	s0 =	sor.u32 s3, s0;
	s1 =	sshll.u32 s1, $0x11  }
0xc1: {  	s0 =	sor.u32 s1, s0  }
0xc2: {  	s0 =	sadd.s32 $0x8F2B, s0  }
0xc3: {  	[sflag:s0] =	ssyncadd.remote.s32 $0x1  }
0xc4: {  	_ =	sfence.sel $0xFFFF  }
0xc5: {  	[dreg:$0x0] =	wrdreg $0xFFFFFFFF;
	(pc) =	sbr.abs _section_cstart, $3  }
0xc6: {  	[dreg:$0x1] =	wrdreg $0xFFFFFFFF  }
0xc7: {  	_ =	task.clear_ibuf [dreg:s10], $0x2FFFF;
	_ =	strace $0x9FFFFFFF  }
0xc8: {  	(tm) =	ssettm $0x7FFFFFFF  }
0xc9: {  	_ =	shalt  }
tec
execute0_lowered:
.L_overlay_start_1:
0x0: {  	(tag) =	ssettag $0x1  }
0x1: {  	s1 =	rddreg [dreg:$0x0]  }
0x2: {  	s0 =	rddreg [dreg:$0x1]  }
0x3: {  	s2 =	rddreg [dreg:$0x2]  }
0x4: {  	s3 =	rddreg [dreg:$0x3]  }
0x5: {  	s4 =	srdreg.scid;
	s6 =	simm.s32 $0x0;
	s10 =	stileid.u32  }
0x6: {  	s29 =	simm.s32 $0x1;
	s4 =	sand.u32 $0x1, s4;
	[smem:$0x7FF] =	sst s6  }
0x7: {  	s5 =	sshll.u32 s4, $0x4;
	s8 =	smul.u32 $0x13880, s4;
	s4 =	ssub.s32 $0x2, s4  }
0x8: {  	v0 =	vimm.s32 $0xFEDCBA98;
	v1 =	vimm.s32 $0x76543210;
	s7 =	sadd.s32 $0x400, s0;
	s5 =	sor.u32 s10, s5;
	s21 =	sshrl.u32 s4, $0x1  }
0x9: {  	v2 =	vimm.s32 $0xBA98FEDC;
	v3 =	vimm.s32 $0x32107654;
	s9 =	sshll.u32 s5, $0x1;
	s5 =	smul.u32 $0x2710, s5;
	s4 =	ssub.s32 s4, s21  }
0xa: {  	v4 =	vimm.s32 $0xDCFE98BA;
	v5 =	vimm.s32 $0x54761032;
	_ =	strace $0x80000047;
	s11 =	sadd.s32 s9, s0;
	s30 =	smax.u32 s4, $0x1  }
0xb: {  	v6 =	vimm.s32 $0xEFCDAB89;
	v7 =	vimm.s32 $0x67452301;
	s12 =	sshrl.u32 s5, $0x3;
	s28 =	sadd.s32 $0x3B000, s11;
	[dreg:$0xf] =	wrdreg s30  }
0xc: {  	v0 =	vunpack.c.l.s4.s8 v0;
	v1 =	vunpack.c.l.s4.s8 v1;
	v2 =	vunpack.c.l.s4.s8 v2;
	s22 =	sadd.s32 s7, s12;
	s13 =	sadd.s32 s2, s12;
	[dreg:$0xe] =	wrdreg s28  }
0xd: {  	v3 =	vunpack.c.l.s4.s8 v3;
	v4 =	vunpack.c.l.s4.s8 v4;
	v5 =	vunpack.c.l.s4.s8 v5;
	s24 =	sadd.s32 $0x32, s12;
	s12 =	sadd.s32 s3, s12;
	[dreg:$0x8] =	wrdreg s13  }
0xe: {  	s31 =	simm.s32 $0x2;
	v6 =	vunpack.c.l.s4.s8 v6;
	v7 =	vunpack.c.l.s4.s8 v7;
	v0 =	vunpack.c.0.s8.s32 v0;
	s21 =	simm.s32 $0x19CA0;
	[dreg:$0x9] =	wrdreg s12  }
0xf: {  	v2 =	vunpack.c.0.s8.s32 v2;
	v3 =	vunpack.c.0.s8.s32 v3;
	v4 =	vunpack.c.0.s8.s32 v4;
	s0 =	sadd.s32 s8, s0;
	s23 =	sadd.s32 $0x9C40, s22;
	[dreg:$0x6] =	wrdreg s22  }
0x10: {  	v5 =	vunpack.c.0.s8.s32 v5;
	v6 =	vunpack.c.0.s8.s32 v6;
	v7 =	vunpack.c.0.s8.s32 v7;
	s8 =	smul.u32 $0x271, s10;
	s25 =	sadd.s32 s7, s24;
	[dreg:$0x7] =	wrdreg s23  }
0x11: {  	v1 =	vunpack.c.0.s8.s32 v1;
	v2 =	vcombine.low v3, v2;
	s10 =	sadd.s32 $0x13E00, s0;
	s9 =	sadd.s32 $0x9C72, s22;
	[dreg:$0xa] =	wrdreg s25  }
0x12: {  	v3 =	vcombine.low v5, v4;
	v4 =	vcombine.low v7, v6;
	v0 =	vand.u32 $0xF, v0;
	s18 =	sadd.s32 $0x320, s5;
	s26 =	sadd.s32 s2, s24;
	[dreg:$0xb] =	wrdreg s9  }
0x13: {  	v0 =	vcombine.low v0, v1;
	s5 =	simm.s32 $0x0;
	v1 =	vand.u32 $0xF, v2;
	s0 =	sadd.s32 s3, s24;
	[dreg:$0xc] =	wrdreg s26  }
0x14: {  	v2 =	vand.u32 $0xF, v3;
	v3 =	vand.u32 $0xF, v4;
	v4 =	vlaneseq.u32;
	s22 =	simm.s32 $0x1DB20;
	s24 =	simm.s32 $0x3;
	[dreg:$0xd] =	wrdreg s0  }
.LBB2_1:
0x15: {  	s0 =	simm.s32 $0x0  }
.LBB2_2:
0x16: {  	s4 =	smul.u32 $0x7D, s0;
	_ =	sdelay $0x1  }
0x17: {  	s4 =	sadd.s32 s8, s4  }
0x18: {  	s11 =	sshll.u32 s4, $0x4  }
0x19: {  	s12 =	simm.s32 $0x0;
	s11 =	sadd.s32 s1, s11  }
0x1a: {  	[tilespmem:s21], [sflag:$0x3] =	stream.linear.gather [hbm4b:s11+s12], $0x3E80, $0x38;
	[tilespmem:$0x1FA60] =	vst v63  }
0x1b: {  	_ =	swait.ge [sflag:s24], $0x3E80  }
0x1c: {  	[sflag:s24] =	ssyncset.done $0x0  }
0x1d: {  	s14 =	simm.s32 $0x19CE0;
	[sflag:s24] =	ssyncadd.s32 $0xFFFFC180  }
0x1e: {  	v5 =	vld [tilespmem:s14+$0xFFFFFFC0]  }
0x1f: {  	v6 =	vld [tilespmem:s14+$0xFFFFFFD0];
	_ =	sdelay $0x3  }
0x20: {  	s12 =	simm.s32 $0x19D60  }
0x21: {  	s11 =	simm.s32 $0x0;
	v7 =	vld [tilespmem:s12+$0xFFFFFFC0];
	v5 =	vpack.i.f32.bf16 v6, v5  }
0x22: {  	v6 =	vld [tilespmem:s12+$0xFFFFFFD0];
	[tilespmem:s11+$0x1DB20] =	vst v5  }
0x23: {  	v5 =	vld [tilespmem:s14+$0xFFFFFFE0]  }
0x24: {  	v8 =	vld [tilespmem:s14+$0xFFFFFFF0];
	_ =	sdelay $0x1  }
0x25: {  	s15 =	simm.s32 $0x19DE0  }
0x26: {  	s13 =	simm.s32 $0x40;
	v9 =	vld [tilespmem:s15+$0xFFFFFFC0];
	v6 =	vpack.i.f32.bf16 v6, v7  }
0x27: {  	v7 =	vld [tilespmem:s15+$0xFFFFFFD0];
	[tilespmem:s13+$0x1DB20] =	vst v6  }
0x28: {  	v10 =	vld [tilespmem:s12+$0xFFFFFFE0];
	v5 =	vpack.i.f32.bf16 v8, v5  }
0x29: {  	v8 =	vld [tilespmem:s12+$0xFFFFFFF0];
	[tilespmem:s11+$0x1DB30] =	vst v5  }
0x2a: {  	v11 =	vld [tilespmem:s14+$0x0]  }
0x2b: {  	s23 =	simm.s32 $0x19E60;
	v12 =	vld [tilespmem:s14+$0x10]  }
0x2c: {  	s16 =	simm.s32 $0x80;
	v6 =	vld [tilespmem:s23+$0xFFFFFFC0];
	v5 =	vpack.i.f32.bf16 v7, v9  }
0x2d: {  	v9 =	vld [tilespmem:s23+$0xFFFFFFD0];
	[tilespmem:s16+$0x1DB20] =	vst v5  }
0x2e: {  	v5 =	vpack.i.f32.bf16 v8, v10;
	v7 =	vld [tilespmem:s15+$0xFFFFFFE0]  }
0x2f: {  	v10 =	vld [tilespmem:s15+$0xFFFFFFF0];
	[tilespmem:s13+$0x1DB30] =	vst v5  }
0x30: {  	v5 =	vld [tilespmem:s12+$0x0];
	v8 =	vpack.i.f32.bf16 v12, v11  }
0x31: {  	s25 =	simm.s32 $0x300;
	s26 =	simm.s32 $0x400;
	s17 =	simm.s32 $0x19E60;
	[tilespmem:s11+$0x1DB40] =	vst v8;
	v8 =	vld [tilespmem:s12+$0x10]  }
.LBB2_3:
0x32: {  	p0 =	sne.s32 s26, $0x7C00;
	v11 =	vld [tilespmem:s14+$0x30];
	s28 =	smov.u32 s26;
	s26 =	sadd.s32 $0x100, s26  }
0x33: {  	s23 =	sadd.s32 $0x80, s23;
	v12 =	vld [tilespmem:s14+$0x20];
	s14 =	smov.u32 s12;
	s12 =	smov.u32 s15  }
0x34: {  	v13 =	vpack.i.f32.bf16 v9, v6;
	s19 =	sshra.s32 s25, $0x2;
	s25 =	smov.u32 s28;
	s15 =	smov.u32 s17;
	v6 =	vld [tilespmem:s23+$0xFFFFFFC0]  }
.Ltmp0:
0x35: {  	s17 =	smov.u32 s23;
	v9 =	vld [tilespmem:s23+$0xFFFFFFD0];
	[tilespmem:s19+$0x1DB20] =	vst v13;
	v10 =	vpack.i.f32.bf16 v10, v7;
	(pc) =	sbr.rel @p0 .LBB2_3-.Ltmp0, $4  }
0x36: {  	v7 =	vld [tilespmem:s15+$0xFFFFFFE0];
	[tilespmem:s16+$0x1DB30] =	vst v10;
	v8 =	vpack.i.f32.bf16 v8, v5  }
0x37: {  	v5 =	vld [tilespmem:s12+$0x0];
	[tilespmem:s13+$0x1DB40] =	vst v8  }
0x38: {  	v10 =	vld [tilespmem:s15+$0xFFFFFFF0];
	v11 =	vpack.i.f32.bf16 v11, v12  }
0x39: {  	v8 =	vld [tilespmem:s12+$0x10];
	[tilespmem:s11+$0x1DB50] =	vst v11;
	s11 =	smov.u32 s13;
	s13 =	smov.u32 s16;
	s16 =	smov.u32 s19  }
0x3a: {  	v6 =	vpack.i.f32.bf16 v9, v6;
	s19 =	sshra.s32 s25, $0x2  }
0x3b: {  	[tilespmem:s19+$0x1DB20] =	vst v6  }
0x3c: {  	v6 =	vld [tilespmem:s17+$0xFFFFFFE0]  }
0x3d: {  	v58 =	vld [tilespmem:s17+$0xFFFFFFF0];
	_ =	sdelay $0x2  }
0x3e: {  	v7 =	vpack.i.f32.bf16 v10, v7  }
0x3f: {  	[tilespmem:s16+$0x1DB30] =	vst v7  }
0x40: {  	v7 =	vld [tilespmem:s15+$0x0];
	v6 =	vpack.i.f32.bf16 v58, v6  }
0x41: {  	v59 =	vld [tilespmem:s15+$0x10];
	[tilespmem:s19+$0x1DB30] =	vst v6  }
0x42: {  	v6 =	vld [tilespmem:s17+$0x0]  }
0x43: {  	v60 =	vld [tilespmem:s17+$0x10]  }
0x44: {  	v11 =	vld [tilespmem:s14+$0x30];
	v5 =	vpack.i.f32.bf16 v8, v5  }
0x45: {  	v61 =	vld [tilespmem:s14+$0x20];
	[tilespmem:s13+$0x1DB40] =	vst v5  }
0x46: {  	v5 =	vld [tilespmem:s12+$0x30];
	v7 =	vpack.i.f32.bf16 v59, v7  }
0x47: {  	v62 =	vld [tilespmem:s12+$0x20];
	[tilespmem:s16+$0x1DB40] =	vst v7  }
0x48: {  	v7 =	vld [tilespmem:s15+$0x30];
	v6 =	vpack.i.f32.bf16 v60, v6  }
0x49: {  	v63 =	vld [tilespmem:s15+$0x20];
	[tilespmem:s19+$0x1DB40] =	vst v6  }
0x4a: {  	v6 =	vld [tilespmem:s17+$0x30]  }
0x4b: {  	v12 =	vld [tilespmem:s17+$0x20];
	_ =	sdelay $0x1  }
0x4c: {  	v8 =	vpack.i.f32.bf16 v11, v61  }
0x4d: {  	[tilespmem:s11+$0x1DB50] =	vst v8;
	v5 =	vpack.i.f32.bf16 v5, v62  }
0x4e: {  	s0 =	sadd.s32 $0x1, s0;
	[tilespmem:s13+$0x1DB50] =	vst v5;
	v5 =	vpack.i.f32.bf16 v7, v63  }
0x4f: {  	s4 =	sshll.u32 s4, $0x3;
	p0 =	sne.s32 s0, $0x5;
	[tilespmem:s16+$0x1DB50] =	vst v5;
	v5 =	vpack.i.f32.bf16 v6, v12  }
.Ltmp1:
0x50: {  	s4 =	sadd.s32 s4, s10;
	[tilespmem:s19+$0x1DB50] =	vst v5;
	(pc) =	sbr.rel @p0 .LBB2_2-.Ltmp1, $4  }
0x51: {  	[hbm4b:s4+s6] =	stream.linear.scatter [tilespmem:s22], [sflag:$0x3], $0x1F40, $0x38;
	[tilespmem:$0x1FA60] =	vst v63  }
0x52: {  	_ =	swait.ge [sflag:s24], $0x1F40  }
0x53: {  	[sflag:s24] =	ssyncset.done $0x0  }
0x54: {  	[sflag:s24] =	ssyncadd.s32 $0xFFFFE0C0  }
0x55: {  	[bflag:$0x0] =	sbarrier.arrive $0xFFFF  }
0x56: {  	s4 =	simm.s32 $0x0;
	s9 =	simm.s32 $0x19C80;
	s0 =	rddreg [dreg:$0x4]  }
0x57: {  	[tilespmem:s9], [sflag:$0x3] =	stream.linear.gather [hbm4b:s0+s4], $0x10, $0x38;
	[tilespmem:$0x1FA60] =	vst v63  }
0x58: {  	_ =	swait.ge [sflag:s24], $0x10  }
0x59: {  	[sflag:s24] =	ssyncset.done $0x0  }
0x5a: {  	s25 =	rddreg [dreg:$0x6];
	[sflag:s24] =	ssyncadd.s32 $0xFFFFFFF0  }
0x5b: {  	v5 =	vld [tilespmem:$0x19C80];
	[tilespmem:s4], [sflag:$0x1] =	stream.linear.gather [hbm4b:s25+s4], $0x190, $0x38  }
0x5c: {  	s28 =	simm.s32 $0x320;
	s26 =	rddreg [dreg:$0x7]  }
0x5d: {  	[tilespmem:s28], [sflag:$0x1] =	stream.linear.gather [hbm4b:s26+s4], $0x190, $0x38;
	[tilespmem:$0x1FA60] =	vst v63  }
0x5e: {  	s11 =	simm.s32 $0x19640;
	s30 =	rddreg [dreg:$0x8]  }
0x5f: {  	[tilespmem:s11], [sflag:$0x1] =	stream.linear.gather [hbm4b:s30+s4], $0x190, $0x38;
	[tilespmem:$0x1FA60] =	vst v63  }
0x60: {  	s13 =	simm.s32 $0x19960;
	s12 =	rddreg [dreg:$0x9]  }
0x61: {  	[tilespmem:s13], [sflag:$0x1] =	stream.linear.gather [hbm4b:s12+s4], $0x190, $0x38;
	[tilespmem:$0x1FA60] =	vst v63  }
0x62: {  	_ =	swait.ge [sflag:s29], $0x190  }
0x63: {  	[sflag:s29] =	ssyncset.done $0x0  }
0x64: {  	[sflag:s29] =	ssyncadd.s32 $0xFFFFFE70  }
0x65: {  	_ =	swait.ge [sflag:s29], $0x190  }
0x66: {  	[sflag:s29] =	ssyncset.done $0x0  }
0x67: {  	[sflag:s29] =	ssyncadd.s32 $0xFFFFFE70  }
0x68: {  	_ =	swait.ge [sflag:s29], $0x190  }
0x69: {  	[sflag:s29] =	ssyncset.done $0x0  }
0x6a: {  	[sflag:s29] =	ssyncadd.s32 $0xFFFFFE70  }
0x6b: {  	_ =	swait.ge [sflag:s29], $0x190  }
0x6c: {  	[sflag:s29] =	ssyncset.done $0x0  }
0x6d: {  	s14 =	simm.s32 $0x640;
	s0 =	simm.s32 $0x50;
	[sflag:s29] =	ssyncadd.s32 $0xFFFFFE70  }
0x6e: {  	[tilespmem:s14], [sflag:$0x2] =	stream.indirect.gather [hbm4b:s10+s0], $0x40, s4, s0, $0xb8;
	[tilespmem:$0x1FA60] =	vst v63  }
0x6f: {  	s15 =	simm.s32 $0xCE40  }
0x70: {  	[tilespmem:s15], [sflag:$0x2] =	stream.indirect.gather [hbm4b:s10+s0], $0x40, s28, s0, $0xb8;
	[tilespmem:$0x1FA60] =	vst v63  }
0x71: {  	s16 =	simm.s32 $0x1A40  }
0x72: {  	[tilespmem:s16], [sflag:$0x2] =	stream.indirect.gather [hbm4b:s10+s0], $0x40, s0, s0, $0xb8;
	[tilespmem:$0x1FA60] =	vst v63  }
0x73: {  	s17 =	simm.s32 $0x370;
	s19 =	simm.s32 $0xE240  }
0x74: {  	[tilespmem:s19], [sflag:$0x2] =	stream.indirect.gather [hbm4b:s10+s0], $0x40, s17, s0, $0xb8;
	[tilespmem:$0x1FA60] =	vst v63  }
0x75: {  	s20 =	simm.s32 $0xA0;
	s23 =	simm.s32 $0x2E40  }
0x76: {  	[tilespmem:s23], [sflag:$0x2] =	stream.indirect.gather [hbm4b:s10+s0], $0x40, s20, s0, $0xb8;
	[tilespmem:$0x1FA60] =	vst v63  }
0x77: {  	s25 =	simm.s32 $0x3C0;
	s26 =	simm.s32 $0xF640  }
0x78: {  	[tilespmem:s26], [sflag:$0x2] =	stream.indirect.gather [hbm4b:s10+s0], $0x40, s25, s0, $0xb8;
	[tilespmem:$0x1FA60] =	vst v63  }
0x79: {  	s30 =	simm.s32 $0x4240;
	s28 =	simm.s32 $0xF0  }
0x7a: {  	[tilespmem:s30], [sflag:$0x2] =	stream.indirect.gather [hbm4b:s10+s0], $0x40, s28, s0, $0xb8;
	[tilespmem:$0x1FA60] =	vst v63  }
0x7b: {  	s11 =	simm.s32 $0x410;
	s12 =	simm.s32 $0x10A40  }
0x7c: {  	[tilespmem:s12], [sflag:$0x2] =	stream.indirect.gather [hbm4b:s10+s0], $0x40, s11, s0, $0xb8;
	[tilespmem:$0x1FA60] =	vst v63  }
0x7d: {  	s13 =	simm.s32 $0x140;
	s14 =	simm.s32 $0x5640  }
0x7e: {  	[tilespmem:s14], [sflag:$0x2] =	stream.indirect.gather [hbm4b:s10+s0], $0x40, s13, s0, $0xb8;
	[tilespmem:$0x1FA60] =	vst v63  }
0x7f: {  	s15 =	simm.s32 $0x460;
	s16 =	simm.s32 $0x11E40  }
0x80: {  	[tilespmem:s16], [sflag:$0x2] =	stream.indirect.gather [hbm4b:s10+s0], $0x40, s15, s0, $0xb8;
	[tilespmem:$0x1FA60] =	vst v63  }
0x81: {  	s17 =	rddreg [dreg:$0xa];
	s19 =	simm.s32 $0x190  }
0x82: {  	[tilespmem:s19], [sflag:$0x1] =	stream.linear.gather [hbm4b:s17+s4], $0x190, $0x38;
	[tilespmem:$0x1FA60] =	vst v63  }
0x83: {  	s20 =	rddreg [dreg:$0xb];
	s23 =	simm.s32 $0x4B0  }
0x84: {  	[tilespmem:s23], [sflag:$0x1] =	stream.linear.gather [hbm4b:s20+s4], $0x190, $0x38;
	[tilespmem:$0x1FA60] =	vst v63  }
0x85: {  	p0 =	por $0x0, $0x0;
	s25 =	rddreg [dreg:$0xc];
	s26 =	simm.s32 $0x197D0  }
0x86: {  	[tilespmem:s26], [sflag:$0x1] =	stream.linear.gather [hbm4b:s25+s4], $0x190, $0x38;
	[tilespmem:$0x1FA60] =	vst v63  }
0x87: {  	s28 =	rddreg [dreg:$0xd];
	s30 =	simm.s32 $0x19AF0;
	s23 =	simm.s32 $0x0  }
0x88: {  	v6 =	vimm.f32 $0.0e+00;
	[tilespmem:s30], [sflag:$0x1] =	stream.linear.gather [hbm4b:s28+s4], $0x190, $0x38;
	[tilespmem:$0x1FA60] =	vst v63  }
.LBB2_6:
0x89: {  	_ =	swait.ge [sflag:s31], $0x1400  }
0x8a: {  	[sflag:s31] =	ssyncset.done $0x0  }
0x8b: {  	[sflag:s31] =	ssyncadd.s32 $0xFFFFEC00  }
0x8c: {  	_ =	swait.ge [sflag:s31], $0x1400  }
0x8d: {  	[sflag:s31] =	ssyncset.done $0x0  }
0x8e: {  	[sflag:s31] =	ssyncadd.s32 $0xFFFFEC00  }
0x8f: {  	_ =	swait.ge [sflag:s31], $0x1400  }
0x90: {  	[sflag:s31] =	ssyncset.done $0x0  }
0x91: {  	[sflag:s31] =	ssyncadd.s32 $0xFFFFEC00  }
0x92: {  	_ =	swait.ge [sflag:s31], $0x1400  }
0x93: {  	[sflag:s31] =	ssyncset.done $0x0  }
0x94: {  	[sflag:s31] =	ssyncadd.s32 $0xFFFFEC00  }
0x95: {  	_ =	swait.ge [sflag:s31], $0x1400  }
0x96: {  	[sflag:s31] =	ssyncset.done $0x0  }
0x97: {  	[sflag:s31] =	ssyncadd.s32 $0xFFFFEC00  }
0x98: {  	_ =	swait.ge [sflag:s31], $0x1400  }
0x99: {  	[sflag:s31] =	ssyncset.done $0x0  }
0x9a: {  	[sflag:s31] =	ssyncadd.s32 $0xFFFFEC00  }
0x9b: {  	_ =	swait.ge [sflag:s31], $0x1400  }
0x9c: {  	[sflag:s31] =	ssyncset.done $0x0  }
0x9d: {  	[sflag:s31] =	ssyncadd.s32 $0xFFFFEC00  }
0x9e: {  	_ =	swait.ge [sflag:s31], $0x1400  }
0x9f: {  	[sflag:s31] =	ssyncset.done $0x0  }
0xa0: {  	[sflag:s31] =	ssyncadd.s32 $0xFFFFEC00  }
0xa1: {  	_ =	swait.ge [sflag:s31], $0x1400  }
0xa2: {  	[sflag:s31] =	ssyncset.done $0x0  }
0xa3: {  	[sflag:s31] =	ssyncadd.s32 $0xFFFFEC00  }
0xa4: {  	_ =	swait.ge [sflag:s31], $0x1400  }
0xa5: {  	p1 =	seq.s32 s23, $0x18;
	[sflag:s31] =	ssyncset.done $0x0  }
0xa6: {  	s0 =	simm.s32 @!p1 $0x1;
	[sflag:s31] =	ssyncadd.s32 $0xFFFFEC00  }
0xa7: {  	_ =	swait.ge @!p1 [sflag:s0], $0x190  }
0xa8: {  	[sflag:s0] =	ssyncset.done @!p1 $0x0  }
0xa9: {  	[sflag:s0] =	ssyncadd.s32 @!p1 $0xFFFFFE70  }
0xaa: {  	_ =	swait.ge @!p1 [sflag:s0], $0x190  }
0xab: {  	[sflag:s0] =	ssyncset.done @!p1 $0x0  }
0xac: {  	[sflag:s0] =	ssyncadd.s32 @!p1 $0xFFFFFE70  }
0xad: {  	_ =	swait.ge @!p1 [sflag:s0], $0x190  }
0xae: {  	s11 =	sand.u32 $0x1, s23;
	[sflag:s0] =	ssyncset.done @!p1 $0x0  }
0xaf: {  	s12 =	sxor.u32 @!p1 $0x1, s11;
	[sflag:s0] =	ssyncadd.s32 @!p1 $0xFFFFFE70  }
0xb0: {  	s13 =	smul.u32 @!p1 $0x6400, s12;
	_ =	swait.ge @!p1 [sflag:s0], $0x190  }
0xb1: {  	s14 =	smul.u32 @!p1 $0x190, s12;
	[sflag:s0] =	ssyncset.done @!p1 $0x0  }
0xb2: {  	s15 =	simm.s32 @!p1 $0x50;
	[sflag:s0] =	ssyncadd.s32 @!p1 $0xFFFFFE70;
	s0 =	sadd.s32 @!p1 $0x640, s13  }
0xb3: {  	[tilespmem:s0], [sflag:$0x2] =	stream.indirect.gather @!p1 [hbm4b:s10+s15], $0x40, s14, s15, $0xb8;
	[tilespmem:$0x1FA60] =	vst v63  }
0xb4: {  	s12 =	sadd.s32 @!p1 $0x320, s14;
	s0 =	sadd.s32 @!p1 $0xCE40, s13  }
0xb5: {  	[tilespmem:s0], [sflag:$0x2] =	stream.indirect.gather @!p1 [hbm4b:s10+s15], $0x40, s12, s15, $0xb8;
	[tilespmem:$0x1FA60] =	vst v63  }
0xb6: {  	s0 =	sadd.s32 @!p1 $0x50, s14  }
0xb7: {  	s12 =	sshll.u32 @!p1 s0, $0x6  }
0xb8: {  	s13 =	sadd.s32 @!p1 $0x640, s12  }
0xb9: {  	[tilespmem:s13], [sflag:$0x2] =	stream.indirect.gather @!p1 [hbm4b:s10+s15], $0x40, s0, s15, $0xb8;
	[tilespmem:$0x1FA60] =	vst v63  }
0xba: {  	s0 =	sadd.s32 @!p1 $0xCE40, s12;
	s12 =	sadd.s32 @!p1 $0x370, s14  }
0xbb: {  	[tilespmem:s0], [sflag:$0x2] =	stream.indirect.gather @!p1 [hbm4b:s10+s15], $0x40, s12, s15, $0xb8;
	[tilespmem:$0x1FA60] =	vst v63  }
0xbc: {  	s0 =	sadd.s32 @!p1 $0xA0, s14  }
0xbd: {  	s12 =	sshll.u32 @!p1 s0, $0x6  }
0xbe: {  	s13 =	sadd.s32 @!p1 $0x640, s12  }
0xbf: {  	[tilespmem:s13], [sflag:$0x2] =	stream.indirect.gather @!p1 [hbm4b:s10+s15], $0x40, s0, s15, $0xb8;
	[tilespmem:$0x1FA60] =	vst v63  }
0xc0: {  	s0 =	sadd.s32 @!p1 $0xCE40, s12;
	s12 =	sadd.s32 @!p1 $0x3C0, s14  }
0xc1: {  	[tilespmem:s0], [sflag:$0x2] =	stream.indirect.gather @!p1 [hbm4b:s10+s15], $0x40, s12, s15, $0xb8;
	[tilespmem:$0x1FA60] =	vst v63  }
0xc2: {  	s12 =	sadd.s32 @!p1 $0xF0, s14  }
0xc3: {  	s13 =	sshll.u32 @!p1 s12, $0x6  }
0xc4: {  	s0 =	simm.s32 $0x1;
	s16 =	sadd.s32 @!p1 $0x640, s13  }
0xc5: {  	[tilespmem:s16], [sflag:$0x2] =	stream.indirect.gather @!p1 [hbm4b:s10+s15], $0x40, s12, s15, $0xb8;
	[tilespmem:$0x1FA60] =	vst v63  }
0xc6: {  	s0 =	simm.s32 @!p0 $0x0;
	s12 =	sadd.s32 @!p1 $0xCE40, s13;
	s13 =	sadd.s32 @!p1 $0x410, s14  }
0xc7: {  	[tilespmem:s12], [sflag:$0x2] =	stream.indirect.gather @!p1 [hbm4b:s10+s15], $0x40, s13, s15, $0xb8;
	[tilespmem:$0x1FA60] =	vst v63  }
0xc8: {  	s30 =	smul.u32 $0x19000, s0;
	s13 =	sadd.s32 @!p1 $0x140, s14  }
0xc9: {  	s16 =	sshll.u32 @!p1 s13, $0x6  }
0xca: {  	s17 =	sshrl.u32 s30, $0x2;
	s12 =	sadd.s32 @!p1 $0x640, s16  }
0xcb: {  	[tilespmem:s12], [sflag:$0x2] =	stream.indirect.gather @!p1 [hbm4b:s10+s15], $0x40, s13, s15, $0xb8;
	[tilespmem:$0x1FA60] =	vst v63  }
0xcc: {  	s9 =	sadd.s32 $0xCEC0, s17;
	s14 =	sadd.s32 @!p1 $0x460, s14;
	s13 =	sadd.s32 @!p1 $0xCE40, s16  }
0xcd: {  	[tilespmem:s13], [sflag:$0x2] =	stream.indirect.gather @!p1 [hbm4b:s10+s15], $0x40, s14, s15, $0xb8;
	[tilespmem:$0x1FA60] =	vst v63  }
0xce: {  	s19 =	sadd.s32 $0x6C0, s17;
	v7 =	vld [tilespmem:s9+$0xFFFFFFF0]  }
0xcf: {  	v8 =	vld [tilespmem:s19+$0x30]  }
0xd0: {  	v9 =	vld [tilespmem:s9+$0x30]  }
0xd1: {  	v10 =	vld [tilespmem:s19+$0x20]  }
0xd2: {  	v11 =	vld [tilespmem:s9+$0x20]  }
0xd3: {  	v12 =	vld [tilespmem:s19+$0x10]  }
0xd4: {  	v13 =	vld [tilespmem:s19+$0x0]  }
0xd5: {  	v14 =	vld [tilespmem:s9+$0x0]  }
0xd6: {  	v15 =	vld [tilespmem:s19+$0xFFFFFFC0]  }
0xd7: {  	v16 =	vld [tilespmem:s9+$0xFFFFFFC0]  }
0xd8: {  	v17 =	vld [tilespmem:s19+$0xFFFFFF80]  }
0xd9: {  	v18 =	vld [tilespmem:s9+$0xFFFFFF80]  }
0xda: {  	v22 =	vld [tilespmem:s19+$0xFFFFFFD0]  }
0xdb: {  	v23 =	vld [tilespmem:s9+$0xFFFFFFD0]  }
0xdc: {  	v24 =	vld [tilespmem:s19+$0xFFFFFFE0]  }
0xdd: {  	v25 =	vld [tilespmem:s9+$0x10]  }
0xde: {  	v26 =	vld [tilespmem:s9+$0xFFFFFFE0]  }
0xdf: {  	v27 =	vld [tilespmem:s19+$0xFFFFFFF0]  }
0xe0: {  	v19 =	vld [tilespmem:s19+$0xFFFFFF90]  }
0xe1: {  	v21 =	vld [tilespmem:s19+$0xFFFFFFA0];
	v15 =	vmul.bf16 v16, v15;
	v13 =	vmul.bf16 v14, v13  }
0xe2: {  	v28 =	vld [tilespmem:s9+$0xFFFFFFA0];
	v10 =	vmul.bf16 v11, v10;
	v8 =	vmul.bf16 v9, v8  }
0xe3: {  	v16 =	vld [tilespmem:s19+$0xFFFFFFB0];
	v9 =	vmul.bf16 v25, v12;
	v12 =	vmul.bf16 v23, v22  }
0xe4: {  	v11 =	vld [tilespmem:s9+$0xFFFFFFB0];
	v14 =	vmul.bf16 v26, v24;
	v7 =	vmul.bf16 v7, v27  }
0xe5: {  	s12 =	sadd.s32 $0x100, s9;
	v20 =	vld [tilespmem:s9+$0xFFFFFF90];
	v8 =	vadd.bf16 v8, v10;
	v9 =	vadd.bf16 v9, v13  }
0xe6: {  	v30 =	vld [tilespmem:s12+$0xFFFFFFA0];
	v12 =	vadd.bf16 v12, v15;
	v7 =	vadd.bf16 v7, v14  }
0xe7: {  	v32 =	vld [tilespmem:s12+$0xFFFFFFB0];
	v8 =	vadd.bf16 v8, v9  }
0xe8: {  	v10 =	vld [tilespmem:s9+$0x70];
	v14 =	vmul.bf16 v28, v21;
	v7 =	vadd.bf16 v7, v12  }
0xe9: {  	v15 =	vld [tilespmem:s19+$0x70];
	v11 =	vmul.bf16 v11, v16;
	v12 =	vunpack.i.u.bf16.f32 v8;
	v8 =	vunpack.i.l.bf16.f32 v8  }
0xea: {  	v13 =	vmul.bf16 v18, v17;
	v17 =	vmul.bf16 v20, v19;
	v18 =	vld [tilespmem:s9+$0x50];
	v8 =	vadd.f32 v8, v12  }
0xeb: {  	v19 =	vld [tilespmem:s19+$0x50];
	v11 =	vadd.bf16 v11, v14;
	v14 =	vunpack.i.u.bf16.f32 v7;
	v7 =	vunpack.i.l.bf16.f32 v7  }
0xec: {  	v9 =	vld [tilespmem:s9+$0x60];
	v13 =	vadd.bf16 v17, v13;
	v7 =	vadd.f32 v7, v14  }
0xed: {  	v17 =	vld [tilespmem:s19+$0x40];
	v14 =	vperm.xlane v8, v0  }
0xee: {  	v16 =	vld [tilespmem:s19+$0x60];
	v11 =	vadd.bf16 v11, v13;
	v20 =	vperm.xlane v7, v0  }
0xef: {  	s28 =	sadd.s32 $0x100, s19;
	v12 =	vld [tilespmem:s9+$0x40];
	v8 =	vadd.f32 v14, v8  }
0xf0: {  	v28 =	vld [tilespmem:s28+$0xFFFFFFA0];
	v21 =	vunpack.i.u.bf16.f32 v11;
	v11 =	vunpack.i.l.bf16.f32 v11;
	v7 =	vadd.f32 v20, v7  }
0xf1: {  	v34 =	vld [tilespmem:s28+$0xFFFFFFD0];
	v11 =	vadd.f32 v11, v21;
	v20 =	vperm.xlane v8, v1  }
0xf2: {  	v22 =	vld [tilespmem:s12+$0x30];
	v10 =	vmul.bf16 v10, v15;
	v24 =	vperm.xlane v7, v1  }
0xf3: {  	v23 =	vld [tilespmem:s28+$0x20];
	v9 =	vmul.bf16 v9, v16;
	v25 =	vperm.xlane v11, v0;
	v8 =	vadd.f32 v20, v8  }
0xf4: {  	v26 =	vld [tilespmem:s28+$0xFFFFFF90];
	v12 =	vmul.bf16 v12, v17;
	v17 =	vmul.bf16 v18, v19;
	v7 =	vadd.f32 v24, v7  }
0xf5: {  	v15 =	vld [tilespmem:s28+$0x0];
	v28 =	vmul.bf16 v30, v28;
	v11 =	vadd.f32 v25, v11;
	v16 =	vperm.xlane v8, v2  }
0xf6: {  	v30 =	vld [tilespmem:s28+$0xFFFFFFF0];
	v9 =	vadd.bf16 v10, v9;
	v12 =	vadd.bf16 v17, v12;
	v19 =	vperm.xlane v7, v2  }
0xf7: {  	v14 =	vld [tilespmem:s28+$0x30];
	v10 =	vperm.xlane v11, v1;
	v8 =	vadd.f32 v16, v8  }
0xf8: {  	v21 =	vld [tilespmem:s12+$0x20];
	v9 =	vadd.bf16 v9, v12;
	v7 =	vadd.f32 v19, v7  }
0xf9: {  	v18 =	vld [tilespmem:s28+$0xFFFFFFC0];
	v10 =	vadd.f32 v10, v11;
	v19 =	vperm.xlane v8, v3  }
0xfa: {  	v17 =	vld [tilespmem:s28+$0xFFFFFF80];
	v12 =	vunpack.i.u.bf16.f32 v9;
	v11 =	vperm.xlane v7, v3  }
0xfb: {  	v25 =	vld [tilespmem:s12+$0xFFFFFF80];
	v9 =	vunpack.i.l.bf16.f32 v9;
	v27 =	vperm.xlane v10, v2;
	v8 =	vadd.f32 v19, v8  }
0xfc: {  	v24 =	vld [tilespmem:s12+$0x0];
	v29 =	vadd.f32 v9, v12;
	v7 =	vadd.f32 v11, v7  }
0xfd: {  	v19 =	vld [tilespmem:s12+$0xFFFFFF90];
	v10 =	vadd.f32 v27, v10;
	v9 =	vsub.f32 $0.0e+00, v8  }
0xfe: {  	v16 =	vld [tilespmem:s12+$0xFFFFFFC0];
	v11 =	vperm.xlane v29, v0  }
0xff: {  	v20 =	vld [tilespmem:s28+$0x10];
	v7 =	vsub.f32 $0.0e+00, v7;
	v33 =	vperm.xlane v10, v3;
	v31 =	vmul.f32 $1.442695020e+00, v9  }
0x100: {  	v17 =	vmul.bf16 v25, v17;
	v27 =	vld [tilespmem:s28+$0xFFFFFFB0];
	v29 =	vadd.f32 v11, v29  }
0x101: {  	s20 =	simm.s32 $0x1;
	v35 =	vmul.f32 $1.442695020e+00, v7;
	v7 =	vadd.f32 v33, v10;
	v10 =	vld [tilespmem:s28+$0xFFFFFFE0];
	(erf) = vpow2.f32 v31  }
0x102: {  	s13 =	sand.u32 $0xD, s20;
	s9 =	simm.s32 $0x3;
	v19 =	vmul.bf16 v19, v26;
	v25 =	vperm.xlane v29, v1;
	v26 =	vld [tilespmem:s12+$0xFFFFFFE0]  }
0x103: {  	s25 =	simm.s32 $0x2;
	s26 =	simm.s32 $0x0;
	v24 =	vmul.bf16 v24, v15;
	v16 =	vmul.bf16 v16, v18;
	v8 =	vmov s13;
	s13 =	sand.u32 $0xF, s9;
	v31 =	vld [tilespmem:s12+$0xFFFFFFD0]  }
0x104: {  	s30 =	sand.u32 $0xC, s26;
	s14 =	sand.u32 $0xE, s25;
	v11 =	vmov s13;
	s13 =	simm.s32 $0x5;
	v18 =	vsub.f32 $0.0e+00, v7;
	v15 =	vadd.f32 v25, v29;
	v25 =	vld [tilespmem:s12+$0x10]  }
0x105: {  	s26 =	smul.u32 $0x190, s0;
	v13 =	vld [tilespmem:s12+$0xFFFFFFF0];
	v21 =	vmul.bf16 v21, v23;
	v9 =	vmov s14;
	s14 =	sand.u32 $0x3, s4;
	s0 =	sand.u32 $0xD, s13;
	v27 =	vmul.bf16 v32, v27  }
0x106: {  	s13 =	sshll.u32 s14, $0x2;
	v7 =	vmov s0;
	(erf) = vpow2.f32 v35;
	v18 =	vmul.f32 $1.442695020e+00, v18  }
0x107: {  	s17 =	sand.u32 $0xF, s4;
	s15 =	ssub.s32 s26, s13;
	v17 =	vadd.bf16 v19, v17;
	v19 =	vperm.xlane v15, v2;
	v26 =	vmul.bf16 v26, v10  }
0x108: {  	s14 =	ssub.s32 s26, s17;
	s0 =	sadd.s32 $0x0, s15;
	v23 =	vadd.bf16 v27, v28;
	v10 =	vmul.bf16 v22, v14;
	v29 =	vmul.bf16 v31, v34  }
0x109: {  	s14 =	sadd.s32 $0x0, s14;
	s0 =	sand.u32 $0xFFFFFFF8, s0;
	v27 =	vld [tilespmem:s12+$0x70];
	v19 =	vadd.f32 v19, v15;
	(erf) = vpow2.f32 v18;
	v18 =	vmul.bf16 v25, v20  }
0x10a: {  	s16 =	sand.u32 $0x7, s4;
	s14 =	sand.u32 $0xFFFFFFF8, s14;
	v14 =	vld [tilespmem:s0+$0x19960];
	v21 =	vadd.bf16 v10, v21;
	v22 =	vadd.bf16 v29, v16;
	v16 =	vmul.bf16 v13, v30;
	v15 =	vpop (erf)  }
0x10b: {  	s13 =	sshll.u32 s16, $0x1;
	v13 =	vld [tilespmem:s14+$0x19960];
	v25 =	vperm.xlane v19, v3;
	v24 =	vadd.bf16 v18, v24;
	v20 =	vadd.f32 $1.000000000e+00, v15  }
0x10c: {  	v12 =	vmov s30;
	s13 =	ssub.s32 s26, s13;
	v23 =	vadd.bf16 v23, v17;
	v30 =	vld [tilespmem:s28+$0x70];
	v26 =	vadd.bf16 v16, v26  }
0x10d: {  	s15 =	simm.s32 $0x4;
	s13 =	sadd.s32 $0x0, s13;
	v18 =	vld [tilespmem:s0+$0x19640];
	v19 =	vadd.f32 v25, v19;
	v21 =	vadd.bf16 v21, v24;
	(erf) = vrcp.f32 v20  }
0x10e: {  	s25 =	sand.u32 $0xC, s15;
	s13 =	sand.u32 $0xFFFFFFF8, s13;
	v16 =	vld [tilespmem:s14+$0x19640];
	v24 =	vunpack.i.u.bf16.f32 v23;
	v23 =	vunpack.i.l.bf16.f32 v23;
	v22 =	vadd.bf16 v26, v22  }
0x10f: {  	v17 =	vmov s25;
	v15 =	vld [tilespmem:s13+$0x19960];
	v28 =	vpop (erf);
	v19 =	vsub.f32 $0.0e+00, v19;
	v23 =	vadd.f32 v23, v24  }
0x110: {  	v24 =	vld [tilespmem:s12+$0x60];
	v62 =	vadd.f32 $1.000000000e+00, v28;
	v26 =	vunpack.i.u.bf16.f32 v21;
	v21 =	vunpack.i.l.bf16.f32 v21  }
0x111: {  	v28 =	vld [tilespmem:s12+$0x40];
	v25 =	vunpack.i.u.bf16.f32 v22;
	v22 =	vunpack.i.l.bf16.f32 v22;
	v29 =	vmul.f32 $1.442695020e+00, v19  }
0x112: {  	s19 =	simm.s32 $0x6;
	v20 =	vld [tilespmem:s13+$0x19640];
	v27 =	vmul.bf16 v27, v30;
	v21 =	vadd.f32 v21, v26;
	v31 =	vpop (erf);
	v61 =	vadd.f32 v22, v25  }
0x113: {  	s20 =	sand.u32 $0xE, s19;
	s30 =	simm.s32 $0x7;
	v26 =	vld [tilespmem:s12+$0x50];
	v22 =	vadd.f32 $1.000000000e+00, v31;
	(erf) = vpow2.f32 v29;
	v29 =	vperm.xlane v23, v0  }
0x114: {  	s11 =	smul.u32 $0x190, s11;
	v10 =	vmov s20;
	s0 =	sand.u32 $0xF, s30;
	v25 =	vld [tilespmem:s28+$0x60];
	v63 =	vperm.xlane v21, v0;
	v31 =	vperm.xlane v61, v0  }
0x115: {  	s16 =	sadd.s32 $0x100, s12;
	s25 =	simm.s32 $0x1;
	s14 =	simm.s32 $0x2;
	v19 =	vmov s0;
	(erf) = vrcp.f32 v22;
	v22 =	vadd.f32 v29, v23;
	v29 =	vld [tilespmem:s28+$0x40]  }
0x116: {  	s13 =	simm.s32 $0x4;
	s0 =	sadd.s32 $0x1, s23;
	s12 =	simm.s32 $0x4;
	v32 =	vadd.f32 v63, v21;
	(erf) = vrcp.f32 v62;
	v30 =	vadd.f32 v31, v61;
	v31 =	vld [tilespmem:s28+$0x50];
	v23 =	vpop (erf)  }
.LBB2_7:
0x117: {  	s19 =	sadd.s32 $0x5, s15;
	vm1 =	veq.s32 v12, v4  }
0x118: {  	v21 =	vld [tilespmem:s16+$0xFFFFFFF0];
	s20 =	sadd.s32 $0x6, s15;
	s28 =	sadd.s32 $0x100, s28;
	v20 =	vsub.f32 v23, v20;
	vm0 =	veq.s32 v11, v4;
	v12 =	vmovc v17;
	v11 =	vmov v19;
	s17 =	smov.u32 s15  }
0x119: {  	s15 =	sadd.s32 $0x4, s15;
	vm2 =	veq.s32 v8, v4;
	v8 =	vmovc v7;
	s19 =	sand.u32 $0xD, s19;
	s20 =	sand.u32 $0xE, s20;
	v17 =	vld [tilespmem:s28+$0x30];
	v23 =	vperm.xlane v30, v1;
	v33 =	vperm.xlane v32, v1  }
0x11a: {  	p1 =	slt.u32 s15, $0x18C;
	v7 =	vmov s19;
	v19 =	vld [tilespmem:s16+$0x30];
	v34 =	vmov s20;
	v20 =	vmul.f32 v20, v20  }
0x11b: {  	v24 =	vmul.bf16 v24, v25;
	v35 =	vld [tilespmem:s28+$0x20];
	v23 =	vadd.f32 v23, v30;
	v30 =	vadd.f32 v33, v32  }
0x11c: {  	v28 =	vmul.bf16 v28, v29;
	v25 =	vld [tilespmem:s16+$0x20];
	v26 =	vmul.bf16 v26, v31;
	v29 =	vsub.f32 v20, v5;
	v31 =	vpop (erf)  }
0x11d: {  	v20 =	vld [tilespmem:s28+$0x10];
	v32 =	vperm.xlane v23, v2;
	v33 =	vperm.xlane v30, v2;
	v31 =	vadd.f32 $1.000000000e+00, v31  }
0x11e: {  	vm3 =	veq.s32 v9, v4;
	v24 =	vadd.bf16 v27, v24;
	v36 =	vld [tilespmem:s28+$0x0];
	v26 =	vadd.bf16 v26, v28;
	v27 =	vpop (erf)  }
0x11f: {  	v28 =	vld [tilespmem:s16+$0x0];
	v23 =	vadd.f32 v32, v23;
	v30 =	vadd.f32 v33, v30;
	v9 =	vpop (erf);
	(erf) = vrcp.f32 v31  }
0x120: {  	v32 =	vperm.xlane v22, v1;
	v31 =	vld [tilespmem:s28+$0xFFFFFFC0];
	v24 =	vadd.bf16 v24, v26;
	v26 =	vsub.f32 v9, v16;
	v9 =	vmovc v10  }
0x121: {  	v18 =	vsub.f32 v27, v18;
	v10 =	vmovc v34;
	v33 =	vld [tilespmem:s16+$0xFFFFFFC0];
	v37 =	vperm.xlane v23, v3;
	v38 =	vperm.xlane v30, v3  }
0x122: {  	v22 =	vadd.f32 v32, v22;
	v27 =	vld [tilespmem:s28+$0xFFFFFF80];
	v32 =	vunpack.i.u.bf16.f32 v24;
	v26 =	vmul.f32 v26, v26  }
0x123: {  	v24 =	vunpack.i.l.bf16.f32 v24;
	v34 =	vld [tilespmem:s16+$0xFFFFFF80];
	v23 =	vadd.f32 v37, v23;
	v30 =	vadd.f32 v38, v30  }
0x124: {  	v38 =	vperm.xlane v22, v2;
	v24 =	vadd.f32 v24, v32;
	v37 =	vld [tilespmem:s28+$0xFFFFFF90];
	v26 =	vsub.f32 v26, v5  }
0x125: {  	v15 =	vmul.f32 v29, v15;
	v18 =	vmul.f32 v18, v18;
	v32 =	vld [tilespmem:s16+$0xFFFFFF90];
	v30 =	vsub.f32 $0.0e+00, v30  }
0x126: {  	v22 =	vadd.f32 v38, v22;
	v23 =	vsub.f32 $0.0e+00, v23;
	v38 =	vperm.xlane v24, v0;
	v29 =	vld [tilespmem:s28+$0xFFFFFFA0]  }
0x127: {  	v18 =	vsub.f32 v18, v5;
	v26 =	vmul.f32 v26, v13;
	v39 =	vld [tilespmem:s16+$0xFFFFFFA0];
	v30 =	vmul.f32 $1.442695020e+00, v30  }
0x128: {  	v15 =	vnsel vm3, $0x0, v15;
	v41 =	vperm.xlane v22, v3;
	v23 =	vmul.f32 $1.442695020e+00, v23;
	v40 =	vld [tilespmem:s28+$0xFFFFFFB0];
	v42 =	vpop (erf)  }
0x129: {  	v24 =	vadd.f32 v38, v24;
	v43 =	vld [tilespmem:s16+$0xFFFFFFB0];
	(erf) = vpow2.f32 v30;
	v16 =	vsub.f32 v42, v16  }
0x12a: {  	v14 =	vmul.f32 v18, v14;
	v27 =	vmul.bf16 v34, v27;
	v22 =	vadd.f32 v41, v22;
	v30 =	vld [tilespmem:s28+$0xFFFFFFD0]  }
0x12b: {  	v26 =	vnsel vm2, $0x0, v26;
	v18 =	vmul.bf16 v32, v37;
	v32 =	vld [tilespmem:s16+$0xFFFFFFD0];
	v16 =	vmul.f32 v16, v16  }
0x12c: {  	v31 =	vmul.bf16 v33, v31;
	v34 =	vperm.xlane v24, v1;
	v22 =	vsub.f32 $0.0e+00, v22;
	v33 =	vld [tilespmem:s28+$0xFFFFFFE0]  }
0x12d: {  	v29 =	vmul.bf16 v39, v29;
	v18 =	vadd.bf16 v18, v27;
	v27 =	vld [tilespmem:s16+$0xFFFFFFE0];
	v16 =	vsub.f32 v16, v5  }
0x12e: {  	v28 =	vmul.bf16 v28, v36;
	v24 =	vadd.f32 v34, v24;
	v37 =	vmul.bf16 v43, v40;
	v38 =	vld [tilespmem:s28+$0xFFFFFFF0]  }
0x12f: {  	s19 =	sand.u32 $0x3, s25;
	v14 =	vnsel vm1, $0x0, v14;
	v36 =	vmul.f32 $1.442695020e+00, v22;
	v34 =	vld [tilespmem:s16+$0x10];
	v16 =	vmul.f32 v16, v13  }
0x130: {  	s19 =	sshll.u32 s19, $0x2;
	v29 =	vadd.bf16 v37, v29;
	v13 =	vmul.bf16 v32, v30;
	v30 =	vperm.xlane v24, v2  }
0x131: {  	s9 =	sand.u32 $0xF, s13;
	s20 =	sand.u32 $0x7, s14;
	s19 =	ssub.s32 s26, s19;
	v25 =	vmul.bf16 v25, v35;
	v6 =	vadd.f32 v14, v6;
	(erf) = vpow2.f32 v23  }
0x132: {  	s9 =	ssub.s32 s26, s9;
	s20 =	sshll.u32 s20, $0x1;
	s19 =	sadd.s32 s19, s12;
	v23 =	vmul.bf16 v27, v33;
	v24 =	vadd.f32 v30, v24;
	(erf) = vpow2.f32 v36;
	v22 =	vpop (erf)  }
0x133: {  	s9 =	sadd.s32 s9, s12;
	s20 =	ssub.s32 s26, s20;
	s19 =	sand.u32 $0xFFFFFFF8, s19;
	v6 =	vadd.f32 v26, v6;
	v27 =	vadd.bf16 v13, v31;
	v13 =	vmul.bf16 v19, v17  }
0x134: {  	s9 =	sand.u32 $0xFFFFFFF8, s9;
	s20 =	sadd.s32 s20, s12;
	s12 =	smov.u32 s15;
	v17 =	vmul.bf16 v21, v38;
	v19 =	vmul.bf16 v34, v20;
	v14 =	vld [tilespmem:s19+$0x19960];
	v20 =	vadd.f32 $1.000000000e+00, v22  }
0x135: {  	s20 =	sand.u32 $0xFFFFFFF8, s20;
	v6 =	vadd.f32 v15, v6;
	v21 =	vadd.bf16 v13, v25;
	v22 =	vperm.xlane v24, v3;
	v13 =	vld [tilespmem:s9+$0x19960]  }
0x136: {  	v25 =	vnsel vm0, $0x0, v16;
	v23 =	vadd.bf16 v17, v23;
	v19 =	vadd.bf16 v19, v28;
	v15 =	vld [tilespmem:s20+$0x19960]  }
0x137: {  	s30 =	sand.u32 $0xC, s12;
	v26 =	vadd.bf16 v29, v18;
	v22 =	vadd.f32 v22, v24;
	v18 =	vld [tilespmem:s19+$0x19640];
	(erf) = vrcp.f32 v20  }
0x138: {  	s17 =	sadd.s32 $0x7, s17;
	v17 =	vmov s30;
	v6 =	vadd.f32 v25, v6;
	v23 =	vadd.bf16 v23, v27;
	v16 =	vld [tilespmem:s9+$0x19640]  }
0x139: {  	v24 =	vunpack.i.u.bf16.f32 v26;
	v21 =	vadd.bf16 v21, v19;
	s9 =	sand.u32 $0xF, s17;
	v22 =	vsub.f32 $0.0e+00, v22;
	v20 =	vld [tilespmem:s20+$0x19640]  }
0x13a: {  	v25 =	vunpack.i.l.bf16.f32 v26;
	v26 =	vunpack.i.u.bf16.f32 v23;
	v19 =	vmov s9;
	v27 =	vld [tilespmem:s16+$0x70];
	v28 =	vpop (erf)  }
0x13b: {  	v23 =	vunpack.i.l.bf16.f32 v23;
	v29 =	vunpack.i.u.bf16.f32 v21;
	v22 =	vmul.f32 $1.442695020e+00, v22;
	v30 =	vld [tilespmem:s28+$0x70];
	v31 =	vpop (erf)  }
0x13c: {  	v32 =	vadd.f32 v25, v24;
	v33 =	vadd.f32 v23, v26;
	v21 =	vunpack.i.l.bf16.f32 v21;
	v24 =	vld [tilespmem:s16+$0x60]  }
.Ltmp2:
0x13d: {  	v21 =	vadd.f32 v21, v29;
	v36 =	vadd.f32 $1.000000000e+00, v31;
	v25 =	vld [tilespmem:s28+$0x60];
	(erf) = vpow2.f32 v22;
	(pc) =	sbr.rel @p1 .LBB2_7-.Ltmp2, $4  }
0x13e: {  	v34 =	vadd.f32 $1.000000000e+00, v28;
	v31 =	vperm.xlane v33, v0;
	v22 =	vperm.xlane v32, v0;
	v26 =	vld [tilespmem:s16+$0x50]  }
0x13f: {  	v35 =	vperm.xlane v21, v0;
	v28 =	vld [tilespmem:s16+$0x40];
	(erf) = vrcp.f32 v36  }
0x140: {  	s13 =	sadd.s32 $0x4, s13;
	v22 =	vadd.f32 v22, v32;
	v29 =	vld [tilespmem:s28+$0x40];
	v27 =	vmul.bf16 v27, v30;
	(erf) = vrcp.f32 v34;
	v23 =	vpop (erf)  }
0x141: {  	s25 =	sadd.s32 $0x1, s25;
	s14 =	sadd.s32 $0x2, s14;
	v32 =	vadd.f32 v35, v21;
	s16 =	sadd.s32 $0x100, s16;
	v30 =	vadd.f32 v31, v33;
	v31 =	vld [tilespmem:s28+$0x50]  }
0x142: {  	_ =	sdelay $0x2  }
0x143: {  	v21 =	vmul.bf16 v24, v25;
	v55 =	vperm.xlane v32, v1  }
0x144: {  	v56 =	vmul.bf16 v28, v29;
	v26 =	vmul.bf16 v26, v31  }
0x145: {  	v21 =	vadd.bf16 v27, v21  }
0x146: {  	v24 =	vadd.f32 v55, v32;
	v25 =	vadd.bf16 v26, v56;
	_ =	sdelay $0x1  }
0x147: {  	v57 =	vperm.xlane v24, v2;
	v21 =	vadd.bf16 v21, v25  }
0x148: {  	v58 =	vperm.xlane v30, v1  }
0x149: {  	v24 =	vadd.f32 v57, v24;
	v59 =	vunpack.i.u.bf16.f32 v21;
	v21 =	vunpack.i.l.bf16.f32 v21  }
0x14a: {  	v60 =	vperm.xlane v22, v1;
	v21 =	vadd.f32 v21, v59  }
0x14b: {  	v25 =	vadd.f32 v58, v30;
	v61 =	vperm.xlane v24, v3  }
0x14c: {  	v22 =	vadd.f32 v60, v22;
	v62 =	vperm.xlane v21, v0  }
0x14d: {  	v63 =	vperm.xlane v25, v2;
	v24 =	vadd.f32 v61, v24  }
0x14e: {  	v30 =	vperm.xlane v22, v2;
	v21 =	vadd.f32 v62, v21  }
0x14f: {  	v31 =	vpop (erf);
	v25 =	vadd.f32 v63, v25;
	v24 =	vsub.f32 $0.0e+00, v24  }
0x150: {  	v27 =	vadd.f32 $1.000000000e+00, v31;
	v22 =	vadd.f32 v30, v22;
	v32 =	vperm.xlane v21, v1  }
0x151: {  	v28 =	vperm.xlane v25, v3;
	v24 =	vmul.f32 $1.442695020e+00, v24  }
0x152: {  	(erf) = vrcp.f32 v27;
	v33 =	vperm.xlane v22, v3;
	v21 =	vadd.f32 v32, v21  }
0x153: {  	v25 =	vadd.f32 v28, v25;
	(erf) = vpow2.f32 v24  }
0x154: {  	v22 =	vadd.f32 v33, v22;
	v34 =	vperm.xlane v21, v2  }
0x155: {  	v25 =	vsub.f32 $0.0e+00, v25  }
0x156: {  	v22 =	vsub.f32 $0.0e+00, v22;
	v21 =	vadd.f32 v34, v21  }
0x157: {  	v35 =	vmul.f32 $1.442695020e+00, v25  }
0x158: {  	v22 =	vmul.f32 $1.442695020e+00, v22;
	v36 =	vperm.xlane v21, v3  }
0x159: {  	v37 =	vpop (erf);
	(erf) = vpow2.f32 v35  }
0x15a: {  	v38 =	vpop (erf);
	(erf) = vpow2.f32 v22;
	v21 =	vadd.f32 v36, v21  }
0x15b: {  	v39 =	vpop (erf)  }
0x15c: {  	v40 =	vpop (erf);
	v21 =	vsub.f32 $0.0e+00, v21  }
0x15d: {  	v25 =	vadd.f32 $1.000000000e+00, v40  }
0x15e: {  	v21 =	vmul.f32 $1.442695020e+00, v21  }
0x15f: {  	(erf) = vrcp.f32 v25  }
0x160: {  	(erf) = vpow2.f32 v21;
	_ =	sdelay $0x1  }
0x161: {  	v41 =	vpop (erf)  }
0x162: {  	v42 =	vpop (erf)  }
0x163: {  	v25 =	vadd.f32 $1.000000000e+00, v42;
	_ =	sdelay $0x1  }
0x164: {  	s9 =	sand.u32 $0x3, s25;
	v21 =	vadd.f32 $1.000000000e+00, v41;
	(erf) = vrcp.f32 v25  }
0x165: {  	s9 =	sshll.u32 s9, $0x2;
	v18 =	vsub.f32 v37, v18  }
0x166: {  	s14 =	sand.u32 $0x7, s14;
	s13 =	sand.u32 $0xF, s13;
	s9 =	ssub.s32 s26, s9;
	(erf) = vrcp.f32 v21;
	v43 =	vpop (erf)  }
0x167: {  	s14 =	sshll.u32 s14, $0x1;
	s13 =	ssub.s32 s26, s13;
	s9 =	sadd.s32 s9, s12;
	v18 =	vmul.f32 v18, v18;
	v24 =	vsub.f32 v38, v16;
	v44 =	vpop (erf)  }
0x168: {  	v45 =	vsub.f32 v23, v20;
	s14 =	ssub.s32 s26, s14;
	s13 =	sadd.s32 s13, s12;
	s9 =	sand.u32 $0xFFFFFFF8, s9;
	v25 =	vadd.f32 $1.000000000e+00, v44  }
0x169: {  	s13 =	sand.u32 $0xFFFFFFF8, s13;
	s30 =	sadd.s32 s14, s12;
	v46 =	vld [tilespmem:s9+$0x19640];
	v18 =	vsub.f32 v18, v5;
	v47 =	vmul.f32 v24, v24  }
0x16a: {  	vm2 =	veq.s32 v8, v4;
	v48 =	vmul.f32 v45, v45;
	s12 =	sand.u32 $0xFFFFFFF8, s30;
	v50 =	vld [tilespmem:s13+$0x19640];
	(erf) = vrcp.f32 v25  }
0x16b: {  	p1 =	sgt.u32 s23, $0x16;
	v51 =	vld [tilespmem:s12+$0x19640];
	v14 =	vmul.f32 v18, v14;
	v49 =	vsub.f32 v39, v16;
	v8 =	vsub.f32 v47, v5  }
0x16c: {  	vm1 =	veq.s32 v12, v4;
	vm0 =	veq.s32 v11, v4;
	v11 =	vsub.f32 v48, v5;
	v54 =	vld [tilespmem:s9+$0x19960];
	s9 =	smul.u32 @!p1 $0x190, s23  }
0x16d: {  	v14 =	vnsel vm1, $0x0, v14;
	v52 =	vmul.f32 v49, v49;
	v8 =	vmul.f32 v8, v13;
	v53 =	vpop (erf)  }
0x16e: {  	vm3 =	veq.s32 v9, v4;
	s9 =	sadd.s32 @!p1 s9, s18;
	v6 =	vadd.f32 v14, v6;
	v12 =	vsub.f32 v53, v46  }
0x16f: {  	v11 =	vmul.f32 v11, v15;
	v57 =	vld [tilespmem:s12+$0x19960];
	s9 =	sshrl.u32 @!p1 s9, $0x3;
	v9 =	vsub.f32 v52, v5;
	v8 =	vnsel vm2, $0x0, v8;
	v55 =	vpop (erf)  }
0x170: {  	s12 =	sadd.s32 @!p1 s7, s9;
	v6 =	vadd.f32 v8, v6;
	v8 =	vld [tilespmem:s13+$0x19960];
	s13 =	simm.s32 @!p1 $0x0;
	v15 =	vsub.f32 v55, v50;
	v12 =	vmul.f32 v12, v12  }
0x171: {  	v9 =	vmul.f32 v9, v13;
	[tilespmem:s11], [sflag:$0x1] =	stream.linear.gather @!p1 [hbm4b:s12+s13], $0x190, $0x38;
	v56 =	vsub.f32 v43, v51;
	[tilespmem:$0x1FA60] =	vst v63  }
0x172: {  	s14 =	sadd.s32 @!p1 $0x320, s11;
	v11 =	vnsel vm3, $0x0, v11;
	s12 =	sadd.s32 @!p1 $0x9C40, s12;
	v15 =	vmul.f32 v15, v15;
	v12 =	vsub.f32 v12, v5  }
0x173: {  	v9 =	vnsel vm0, $0x0, v9;
	v6 =	vadd.f32 v11, v6;
	[tilespmem:s14], [sflag:$0x1] =	stream.linear.gather @!p1 [hbm4b:s12+s13], $0x190, $0x38;
	v13 =	vmul.f32 v56, v56;
	v58 =	vpop (erf);
	[tilespmem:$0x1FA60] =	vst v63  }
0x174: {  	s12 =	sadd.s32 @!p1 $0x19640, s11;
	s14 =	sadd.s32 @!p1 s2, s9;
	v15 =	vsub.f32 v15, v5;
	v12 =	vmul.f32 v12, v54;
	v16 =	vsub.f32 v58, v50  }
0x175: {  	vm12 =	veq.s32 v17, v4;
	v6 =	vadd.f32 v9, v6;
	[tilespmem:s12], [sflag:$0x1] =	stream.linear.gather @!p1 [hbm4b:s14+s13], $0x190, $0x38;
	v59 =	vsub.f32 v13, v5;
	[tilespmem:$0x1FA60] =	vst v63  }
0x176: {  	s11 =	sadd.s32 @!p1 $0x19960, s11;
	s9 =	sadd.s32 @!p1 s3, s9;
	v60 =	vmul.f32 v15, v8;
	v12 =	vnsel vm12, $0x0, v12;
	v61 =	vmul.f32 v16, v16  }
0x177: {  	vm13 =	veq.s32 v7, v4;
	[tilespmem:s11], [sflag:$0x1] =	stream.linear.gather @!p1 [hbm4b:s9+s13], $0x190, $0x38;
	v6 =	vadd.f32 v12, v6;
	[tilespmem:$0x1FA60] =	vst v63  }
0x178: {  	p1 =	sne.s32 s0, $0x19;
	v7 =	vmul.f32 v59, v57;
	v62 =	vnsel vm13, $0x0, v60;
	v63 =	vsub.f32 v61, v5  }
.Ltmp3:
0x179: {  	vm14 =	veq.s32 v10, v4;
	v6 =	vadd.f32 v62, v6;
	(pc) =	sbr.rel @p1 .LBB2_6-.Ltmp3, $4  }
0x17a: {  	v7 =	vnsel vm14, $0x0, v7;
	v8 =	vmul.f32 v63, v8  }
0x17b: {  	vm15 =	veq.s32 v19, v4;
	v6 =	vadd.f32 v7, v6  }
0x17c: {  	v7 =	vnsel vm15, $0x0, v8  }
0x17d: {  	p0 =	por !p0, !p0;
	s23 =	smov.u32 s0;
	v6 =	vadd.f32 v7, v6  }
0x17e: {  	_ = 	snop  }
0x17f: {  	s0 =	rddreg [dreg:$0xe];
	s4 =	simm.s32 $0x19C90;
	[tilespmem:$0x19C90] =	vst v6  }
0x180: {  	[hbm4b:s0+s6] =	stream.linear.scatter [tilespmem:s4], [sflag:$0x3], $0x10, $0x38;
	[tilespmem:$0x1FA60] =	vst v63  }
0x181: {  	_ =	swait.ge [sflag:s24], $0x10  }
0x182: {  	s5 =	sadd.s32 $0x1, s5;
	s30 =	rddreg [dreg:$0xf]  }
0x183: {  	p0 =	sne.s32 s5, s30  }
.Ltmp4:
0x184: {  	_ = 	snop;
	(pc) =	sbr.rel @p0 .LBB2_1-.Ltmp4, $3  }
0x185: {  	_ =	sdelay $0x1  }
0x186: {  	[sflag:s24] =	ssyncset.done $0x0  }
0x187: {  	[sflag:s24] =	ssyncadd.s32 $0xFFFFFFF0  }
0x188: {  	_ =	sfence.sel $0x180000  }
0x189: {  	[bflag:$0x0] =	sbarrier.arrive $0xFFFF  }
0x18a: {  	_ =	strace $0x90000047  }
0x18b: {  	s0 =	stileid.u32;
	[bflag:$0x2] =	sbarrier.arrive $0xFFFF  }
0x18c: {  	p0 =	sne.s32 s0, $0x0;
	s0 =	rddreg [dreg:$0x5]  }
0x18d: {  	s0 =	sadd.s32 @!p0 $0x100000, s0  }
0x18e: {  	[sflag:s0] =	ssyncadd.tile.s32 @!p0 $0x1;
	_ =	shalt  }
.Lfunc_end2:
_tile_overlayer_lowered:
.L_overlay_start_2:
0x18f: {  	(tag) =	ssettag $0x2  }
0x190: {  	s0 =	rddreg [dreg:$0x0];
	s2 =	stileid.u32  }
0x191: {  	s1 =	rddreg [dreg:$0x1];
	p0 =	sne.s32 s2, $0x0  }
0x192: {  	s3 =	rddreg [dreg:$0x2];
	[bflag:$0x3] =	sbarrier.arrive $0xFFFF;
	s2 =	simm.s32 @!p0 $0x1C03  }
0x193: {  	[timem:s3], [sflag:s2] =	dma.local @!p0 [hbm:s0], s1  }
0x194: {  	s0 =	simm.s32 @!p0 $0x3  }
0x195: {  	_ =	swait.ge @!p0 [sflag:s0], s1  }
0x196: {  	s1 =	ssub.s32 @!p0 $0x0, s1;
	[sflag:s0] =	ssyncset.done @!p0 $0x0  }
0x197: {  	[sflag:s0] =	ssyncadd.s32 @!p0 s1  }
0x198: {  	[bflag:$0x3] =	sbarrier.arrive $0xFFFF  }
0x199: {  	_ =	shalt  }

</sc_bundles>
